<compile_context>
chip_gen: v7x
topology: tpu7x:2x2x1
jax: 0.10.2.dev20260603
libtpu: 0.0.44.dev20260713+nightly
codegen_flags: <defaults>
</compile_context>

<pallas_src>
import functools

import jax
import jax.numpy as jnp
from jax import lax
from jax.experimental import pallas as pl
from jax.experimental.pallas import tpu as pltpu
from jax.experimental.pallas import tpu_sc as plsc

N_NODES = 10000
N_EDGES = 320000
IN_CH = 128
HID_CH = 64
OUT_CH = 2

W1 = 80
W2 = 16

NC = 2
NS = 16
NW = NC * NS
E_PER_W = N_EDGES // NW
K = 104
PIPE = 4
NIT = 24
TAILK = E_PER_W - NIT * PIPE * K
RT = 624
ZR = 208
TAIL = N_NODES - NS * RT


def _dot_t(a, b):
    return lax.dot_general(a, b, (((1,), (1,)), ((), ())),
                           preferred_element_type=jnp.float32)


def _tc1_body(x_ref, wl_ref, wr_ref, bl_ref, y1e_ref, z1_ref):
    x = x_ref[...]
    y1 = _dot_t(x, wl_ref[...])
    ones = jnp.ones((N_NODES, 1), jnp.float32)
    pad = jnp.zeros((N_NODES, W1 - HID_CH - 1), jnp.float32)
    y1e_ref[...] = jnp.concatenate([y1, ones, pad], axis=1)
    z1_ref[...] = _dot_t(x, wr_ref[...]) + bl_ref[...]


def _make_seg_sum(width):
    mesh = plsc.VectorSubcoreMesh(core_axis_name="c", subcore_axis_name="s")

    @functools.partial(
        pl.kernel,
        mesh=mesh,
        compiler_params=pltpu.CompilerParams(use_tc_tiling_on_sc=False),
        out_type=jax.ShapeDtypeStruct((NC, N_NODES, width), jnp.float32),
        scratch_types=[
            [pltpu.VMEM((2, K), jnp.int32) for _ in range(PIPE)],
            [pltpu.VMEM((K, width), jnp.float32) for _ in range(PIPE)],
            pltpu.VMEM((2, TAILK), jnp.int32),
            pltpu.VMEM((ZR, width), jnp.float32),
            pltpu.VMEM_SHARED((N_NODES, width), jnp.float32),
            [pltpu.SemaphoreType.DMA for _ in range(PIPE)],
            [pltpu.SemaphoreType.DMA for _ in range(PIPE)],
            [pltpu.SemaphoreType.DMA for _ in range(PIPE)],
        ],
    )
    def seg_sum(table_hbm, ei_hbm, out_hbm,
                idx, rows, idxt, zbuf, acc, sem_i, sem_g, sem_s):
        cid = lax.axis_index("c")
        sid = lax.axis_index("s")
        wid = sid * NC + cid

        zvec = jnp.zeros((16,), jnp.float32)
        cpr = width // 16

        def zero_zbuf(i, carry):
            zbuf[i // cpr, pl.ds((i % cpr) * 16, 16)] = zvec
            return carry
        lax.fori_loop(0, ZR * cpr, zero_zbuf, 0)

        row0 = pl.multiple_of(sid * RT, 8)

        def zero_acc(i, carry):
            off = pl.multiple_of(row0 + i * ZR, 8)
            pltpu.sync_copy(zbuf, acc.at[pl.ds(off, ZR)])
            return carry
        lax.fori_loop(0, RT // ZR, zero_acc, 0)

        @pl.when(sid == NS - 1)
        def _():
            pltpu.sync_copy(zbuf.at[pl.ds(0, TAIL)],
                            acc.at[pl.ds(NS * RT, TAIL)])
        plsc.subcore_barrier()

        base0 = wid * E_PER_W

        def edge_iter(it, carry):
            cbase = base0 + it * (PIPE * K)
            di = []
            for q in range(PIPE):
                off = pl.multiple_of(cbase + q * K, 8)
                di.append(pltpu.async_copy(
                    ei_hbm.at[:, pl.ds(off, K)], idx[q], sem_i[q]))
            dg = []
            for q in range(PIPE):
                di[q].wait()
                dg.append(pltpu.async_copy(
                    table_hbm.at[idx[q].at[0]], rows[q], sem_g[q]))
            ds = []
            for q in range(PIPE):
                dg[q].wait()
                ds.append(pltpu.async_copy(
                    rows[q], acc.at[idx[q].at[1]], sem_s[q], add=True))
            for q in range(PIPE):
                ds[q].wait()
            return carry
        lax.fori_loop(0, NIT, edge_iter, 0)

        toff = pl.multiple_of(base0 + NIT * PIPE * K, 8)
        pltpu.sync_copy(ei_hbm.at[:, pl.ds(toff, TAILK)], idxt)
        pltpu.async_copy(table_hbm.at[idxt.at[0]],
                         rows[0].at[pl.ds(0, TAILK)], sem_g[0]).wait()
        pltpu.sync_copy(rows[0].at[pl.ds(0, TAILK)],
                        acc.at[idxt.at[1]], add=True)
        plsc.subcore_barrier()

        def readback(i, carry):
            off = pl.multiple_of(row0 + i * ZR, 8)
            pltpu.sync_copy(acc.at[pl.ds(off, ZR)],
                            out_hbm.at[cid].at[pl.ds(off, ZR)])
            return carry
        lax.fori_loop(0, RT // ZR, readback, 0)

        @pl.when(sid == NS - 1)
        def _():
            pltpu.sync_copy(acc.at[pl.ds(NS * RT, TAIL)],
                            out_hbm.at[cid].at[pl.ds(NS * RT, TAIL)])

    return seg_sum


_seg_sum_w1 = _make_seg_sum(W1)
_seg_sum_w2 = _make_seg_sum(W2)


def _tc2_body(p0_ref, p1_ref, z1_ref, wl2_ref, wr2_ref, bl2_ref,
              y2e_ref, z2_ref, deg_ref):
    s = p0_ref[...] + p1_ref[...]
    agg = s[:, :HID_CH]
    deg = jnp.maximum(s[:, HID_CH:HID_CH + 1], 1.0)
    h = jnp.maximum(agg / deg + z1_ref[...], 0.0)
    y2 = _dot_t(h, wl2_ref[...])
    y2e_ref[...] = jnp.concatenate(
        [y2, jnp.zeros((N_NODES, W2 - OUT_CH), jnp.float32)], axis=1)
    z2_ref[...] = _dot_t(h, wr2_ref[...]) + bl2_ref[...]
    deg_ref[...] = deg


def _tc3_body(q0_ref, q1_ref, z2_ref, deg_ref, out_ref):
    s = q0_ref[...] + q1_ref[...]
    o = s[:, :OUT_CH] / deg_ref[...] + z2_ref[...]
    m = jnp.max(o, axis=1, keepdims=True)
    lse = m + jnp.log(jnp.sum(jnp.exp(o - m), axis=1, keepdims=True))
    out_ref[...] = o - lse


def kernel(x, edge_index, Wl1, bl1, Wr1, Wl2, bl2, Wr2):
    ei = edge_index.astype(jnp.int32)

    y1e, z1 = pl.pallas_call(
        _tc1_body,
        out_shape=[jax.ShapeDtypeStruct((N_NODES, W1), jnp.float32),
                   jax.ShapeDtypeStruct((N_NODES, HID_CH), jnp.float32)],
    )(x, Wl1, Wr1, bl1.reshape(1, HID_CH))

    acc1 = _seg_sum_w1(y1e, ei)

    y2e, z2, deg = pl.pallas_call(
        _tc2_body,
        out_shape=[jax.ShapeDtypeStruct((N_NODES, W2), jnp.float32),
                   jax.ShapeDtypeStruct((N_NODES, OUT_CH), jnp.float32),
                   jax.ShapeDtypeStruct((N_NODES, 1), jnp.float32)],
    )(acc1[0], acc1[1], z1, Wl2, Wr2, bl2.reshape(1, OUT_CH))

    acc2 = _seg_sum_w2(y2e, ei)

    out = pl.pallas_call(
        _tc3_body,
        out_shape=jax.ShapeDtypeStruct((N_NODES, OUT_CH), jnp.float32),
    )(acc2[0], acc2[1], z2, deg)
    return out

# --- scband reference (transcript-rebuilt; emitter-appended) ---
"""Pipeline reference for scband-graph-sage-61246233641159 (READ-ONLY COPY).

The authoritative reference and input builder live on the scoring server;
editing this copy changes nothing except your own understanding.
"""

import jax, jax.numpy as jnp
import numpy as np

N_NODES = 10000
N_EDGES = 320000
IN_CH = 128
HID_CH = 64
OUT_CH = 2


def _glorot(key, shape):
    fan_in, fan_out = shape[1], shape[0]
    limit = float(np.sqrt(6.0 / (fan_in + fan_out)))
    return jax.random.uniform(key, shape, jnp.float32, -limit, limit)


def setup_inputs(seed: int = 0) -> dict:
    key = jax.random.key(seed)
    ks = jax.random.split(key, 8)
    x = jax.random.normal(ks[0], (N_NODES, IN_CH), dtype=jnp.float32)
    edge_index = jax.random.randint(ks[1], (2, N_EDGES), 0, N_NODES, dtype=jnp.int64)
    Wl1 = _glorot(ks[2], (HID_CH, IN_CH))
    bl1 = jnp.zeros((HID_CH,), dtype=jnp.float32)
    Wr1 = _glorot(ks[3], (HID_CH, IN_CH))
    Wl2 = _glorot(ks[4], (OUT_CH, HID_CH))
    bl2 = jnp.zeros((OUT_CH,), dtype=jnp.float32)
    Wr2 = _glorot(ks[5], (OUT_CH, HID_CH))
    return {"x": x, "edge_index": edge_index, "Wl1": Wl1, "bl1": bl1, "Wr1": Wr1,
            "Wl2": Wl2, "bl2": bl2, "Wr2": Wr2}


def _sage_conv(x, src, dst, Wl, bl, Wr, n_nodes):
    # PyG SAGEConv with mean aggregation:
    # out = lin_l(mean_{j in N(i)} x_j) + lin_r(x_i)
    msg = jnp.take(x, src, axis=0)
    agg = jax.ops.segment_sum(msg, dst, num_segments=n_nodes)
    deg = jax.ops.segment_sum(jnp.ones((src.shape[0],), dtype=x.dtype), dst,
                              num_segments=n_nodes)
    deg = jnp.clip(deg, 1.0, None)
    agg = agg / deg[:, None]
    return agg @ Wl.T + bl + x @ Wr.T


def reference(x, edge_index, Wl1, bl1, Wr1, Wl2, bl2, Wr2):
    src = edge_index[0]
    dst = edge_index[1]
    h = _sage_conv(x, src, dst, Wl1, bl1, Wr1, N_NODES)
    h = jax.nn.relu(h)
    out = _sage_conv(h, src, dst, Wl2, bl2, Wr2, N_NODES)
    return jax.nn.log_softmax(out, axis=-1)

if __name__ == "__main__":
    import jax
    _d = setup_inputs()
    print(jax.jit(kernel)(*tuple(_d.values())))

</pallas_src>

<mosaic_0001>
#map = affine_map<(d0, d1) -> (0, 0)>
#map1 = affine_map<(d0, d1) -> (0, 0, 0)>
module attributes {stable_mosaic.version = 14 : i64} {
  func.func @seg_sum(%arg0: i32, %arg1: i32, %arg2: memref<10000x16xf32, #tpu.memory_space<hbm>>, %arg3: memref<2x320000xi32, #tpu.memory_space<hbm>>, %arg4: memref<2x10000x16xf32, #tpu.memory_space<hbm>>, %arg5: memref<2x104xi32, #tpu.memory_space<vmem>>, %arg6: memref<2x104xi32, #tpu.memory_space<vmem>>, %arg7: memref<2x104xi32, #tpu.memory_space<vmem>>, %arg8: memref<2x104xi32, #tpu.memory_space<vmem>>, %arg9: memref<104x16xf32, #tpu.memory_space<vmem>>, %arg10: memref<104x16xf32, #tpu.memory_space<vmem>>, %arg11: memref<104x16xf32, #tpu.memory_space<vmem>>, %arg12: memref<104x16xf32, #tpu.memory_space<vmem>>, %arg13: memref<2x16xi32, #tpu.memory_space<vmem>>, %arg14: memref<208x16xf32, #tpu.memory_space<vmem>>, %arg15: memref<10000x16xf32, #tpu.memory_space<vmem_shared>>, %arg16: memref<!tpu.dma_semaphore, #tpu.memory_space<semaphore_mem>>, %arg17: memref<!tpu.dma_semaphore, #tpu.memory_space<semaphore_mem>>, %arg18: memref<!tpu.dma_semaphore, #tpu.memory_space<semaphore_mem>>, %arg19: memref<!tpu.dma_semaphore, #tpu.memory_space<semaphore_mem>>, %arg20: memref<!tpu.dma_semaphore, #tpu.memory_space<semaphore_mem>>, %arg21: memref<!tpu.dma_semaphore, #tpu.memory_space<semaphore_mem>>, %arg22: memref<!tpu.dma_semaphore, #tpu.memory_space<semaphore_mem>>, %arg23: memref<!tpu.dma_semaphore, #tpu.memory_space<semaphore_mem>>, %arg24: memref<!tpu.dma_semaphore, #tpu.memory_space<semaphore_mem>>, %arg25: memref<!tpu.dma_semaphore, #tpu.memory_space<semaphore_mem>>, %arg26: memref<!tpu.dma_semaphore, #tpu.memory_space<semaphore_mem>>, %arg27: memref<!tpu.dma_semaphore, #tpu.memory_space<semaphore_mem>>) attributes {dimension_semantics = [#tpu.dimension_semantics<core_parallel>, #tpu.dimension_semantics<subcore_parallel>], iteration_bounds = array<i64: 2, 16>, scalar_prefetch = 0 : i64, scratch_operands = 23 : i64, tpu.core_type = #tpu.core_type<sc_vector_subcore>, window_params = [{transform_indices = #map}, {transform_indices = #map}, {transform_indices = #map1}]} {
    %mul3A = arith.constant 2 : i32
    %mul3A_0 = arith.muli %arg1, %mul3A : i32
    %add3A = arith.addi %mul3A_0, %arg0 : i32
    %broadcast_in_dim3A = arith.constant 0.000000e+00 : f32
    %broadcast_in_dim3A_1 = vector.broadcast %broadcast_in_dim3A : f32 to vector<16xf32>
    %scan3A = arith.constant 0 : i32
    %scan3A_2 = arith.constant 0 : i32
    %scan3A_3 = arith.constant 208 : i32
    %scan3A_4 = arith.addi %scan3A_2, %scan3A_3 : i32
    %scan3A_5 = arith.constant 1 : i32
    scf.for %scan3A_58 = %scan3A_2 to %scan3A_4 step %scan3A_5  : i32 {
      %jit3A = arith.constant 1 : i32
      %div3A = arith.divsi %scan3A_58, %jit3A : i32
      %sign3A = arith.constant 0 : i32
      %sign3A_59 = arith.cmpi sgt, %scan3A_58, %sign3A : i32
      %sign3A_60 = arith.extui %sign3A_59 : i1 to i32
      %sign3A_61 = arith.constant 0 : i32
      %sign3A_62 = arith.cmpi slt, %scan3A_58, %sign3A_61 : i32
      %sign3A_63 = arith.extui %sign3A_62 : i1 to i32
      %sign3A_64 = arith.subi %sign3A_60, %sign3A_63 : i32
      %sign3A_65 = arith.constant 0 : i32
      %sign3A_66 = arith.cmpi sgt, %jit3A, %sign3A_65 : i32
      %sign3A_67 = arith.extui %sign3A_66 : i1 to i32
      %sign3A_68 = arith.constant 0 : i32
      %sign3A_69 = arith.cmpi slt, %jit3A, %sign3A_68 : i32
      %sign3A_70 = arith.extui %sign3A_69 : i1 to i32
      %sign3A_71 = arith.subi %sign3A_67, %sign3A_70 : i32
      %ne3A = arith.cmpi ne, %sign3A_64, %sign3A_71 : i32
      %rem3A = arith.remsi %scan3A_58, %jit3A : i32
      %ne3A_72 = arith.constant 0 : i32
      %ne3A_73 = arith.cmpi ne, %rem3A, %ne3A_72 : i32
      %and3A = arith.andi %ne3A, %ne3A_73 : i1
      %sub3A = arith.constant 1 : i32
      %sub3A_74 = arith.subi %div3A, %sub3A : i32
      %select_n3A = arith.select %and3A, %sub3A_74, %div3A : i32
      %jit3A_75 = arith.constant 1 : i32
      %eq3A_76 = arith.constant 0 : i32
      %eq3A_77 = arith.cmpi eq, %jit3A_75, %eq3A_76 : i32
      %jit3A_78 = arith.constant 1 : i32
      %select_n3A_79 = arith.select %eq3A_77, %jit3A_78, %jit3A_75 : i32
      %rem3A_80 = arith.remsi %scan3A_58, %select_n3A_79 : i32
      %ne3A_81 = arith.constant 0 : i32
      %ne3A_82 = arith.cmpi ne, %rem3A_80, %ne3A_81 : i32
      %lt3A = arith.constant 0 : i32
      %lt3A_83 = arith.cmpi slt, %rem3A_80, %lt3A : i32
      %lt3A_84 = arith.constant 0 : i32
      %lt3A_85 = arith.cmpi slt, %select_n3A_79, %lt3A_84 : i32
      %ne3A_86 = arith.xori %lt3A_83, %lt3A_85 : i1
      %and3A_87 = arith.andi %ne3A_86, %ne3A_82 : i1
      %add3A_88 = arith.addi %rem3A_80, %select_n3A_79 : i32
      %select_n3A_89 = arith.select %and3A_87, %add3A_88, %rem3A_80 : i32
      %mul3A_90 = arith.constant 16 : i32
      %mul3A_91 = arith.muli %select_n3A_89, %mul3A_90 : i32
      %swap3A = arith.index_cast %select_n3A : i32 to index
      %swap3A_92 = arith.index_cast %mul3A_91 : i32 to index
      %swap3A_93 = tpu.vector_load %arg14[%swap3A, %swap3A_92] {strides = array<i32>} : memref<208x16xf32, #tpu.memory_space<vmem>>, vector<1x16xf32>,
      %swap3A_94 = vector.shape_cast %swap3A_93 : vector<1x16xf32> to vector<16xf32>
      %swap3A_95 = vector.shape_cast %broadcast_in_dim3A_1 : vector<16xf32> to vector<1x16xf32>
      tpu.vector_store %arg14[%swap3A, %swap3A_92], %swap3A_95 {strides = array<i32>} : memref<208x16xf32, #tpu.memory_space<vmem>>, vector<1x16xf32>,
    }
    %scan3A_6 = arith.constant 208 : i32
    %mul3A_7 = arith.constant 624 : i32
    %mul3A_8 = arith.muli %arg1, %mul3A_7 : i32
    %multiple_of3A = tpu.assume_multiple %mul3A_8, 8 : i32
    %scan3A_9 = arith.constant 0 : i32
    %scan3A_10 = arith.constant 0 : i32
    %scan3A_11 = arith.constant 3 : i32
    %scan3A_12 = arith.addi %scan3A_10, %scan3A_11 : i32
    %scan3A_13 = arith.constant 1 : i32
    scf.for %scan3A_58 = %scan3A_10 to %scan3A_12 step %scan3A_13  : i32 {
      %mul3A_59 = arith.constant 208 : i32
      %mul3A_60 = arith.muli %scan3A_58, %mul3A_59 : i32
      %add3A_61 = arith.addi %multiple_of3A, %mul3A_60 : i32
      %multiple_of3A_62 = tpu.assume_multiple %add3A_61, 8 : i32
      "tpu.region"() ({
        %run_scoped3A_63 = tpu.sem_alloc : memref<!tpu.dma_semaphore, #tpu.memory_space<semaphore_mem>>
        %dma_start3A_64 = arith.constant 0 : i32
        %dma_start3A_65 = tpu.memref_slice %arg15[%multiple_of3A_62, %dma_start3A_64] : memref<10000x16xf32, #tpu.memory_space<vmem_shared>> -> memref<208x16xf32, #tpu.memory_space<vmem_shared>>
        %dma_start3A_66 = arith.constant 0 : i32
        %dma_start3A_67 = tpu.memref_slice %arg15[%multiple_of3A_62, %dma_start3A_66] : memref<10000x16xf32, #tpu.memory_space<vmem_shared>> -> memref<208x16xf32, #tpu.memory_space<vmem_shared>>
        tpu.enqueue_dma source(%arg14 : memref<208x16xf32, #tpu.memory_space<vmem>>) target(%dma_start3A_67 : memref<208x16xf32, #tpu.memory_space<vmem_shared>>) target_semaphore(%run_scoped3A_63 : memref<!tpu.dma_semaphore, #tpu.memory_space<semaphore_mem>>)
        %dma_wait3A_68 = arith.constant 0 : i32
        %dma_wait3A_69 = tpu.memref_slice %arg15[%multiple_of3A_62, %dma_wait3A_68] : memref<10000x16xf32, #tpu.memory_space<vmem_shared>> -> memref<208x16xf32, #tpu.memory_space<vmem_shared>>
        %dma_wait3A_70 = arith.constant 0 : i32
        %dma_wait3A_71 = tpu.memref_slice %arg15[%multiple_of3A_62, %dma_wait3A_70] : memref<10000x16xf32, #tpu.memory_space<vmem_shared>> -> memref<208x16xf32, #tpu.memory_space<vmem_shared>>
        tpu.wait_dma2 semaphore(%run_scoped3A_63 : memref<!tpu.dma_semaphore, #tpu.memory_space<semaphore_mem>>) src(%arg14 : memref<208x16xf32, #tpu.memory_space<vmem>>) dst(%dma_wait3A_71 : memref<208x16xf32, #tpu.memory_space<vmem_shared>>)
        tpu.yield
      }) : () -> ()
    }
    %scan3A_14 = arith.constant 3 : i32
    %eq3A = arith.constant 15 : i32
    %eq3A_15 = arith.cmpi eq, %arg1, %eq3A : i32
    %convert_element_type3A = arith.extui %eq3A_15 : i1 to i32
    %cond3A = arith.constant 0 : i32
    %cond3A_16 = arith.cmpi ne, %convert_element_type3A, %cond3A : i32
    scf.if %cond3A_16 {
      "tpu.region"() ({
        %run_scoped3A_58 = tpu.sem_alloc : memref<!tpu.dma_semaphore, #tpu.memory_space<semaphore_mem>>
        %dma_start3A_59 = arith.constant 0 : i32
        %dma_start3A_60 = arith.constant 0 : i32
        %dma_start3A_61 = tpu.memref_slice %arg14[%dma_start3A_59, %dma_start3A_60] : memref<208x16xf32, #tpu.memory_space<vmem>> -> memref<16x16xf32, #tpu.memory_space<vmem>>
        %dma_start3A_62 = arith.constant 9984 : i32
        %dma_start3A_63 = arith.constant 0 : i32
        %dma_start3A_64 = tpu.memref_slice %arg15[%dma_start3A_62, %dma_start3A_63] : memref<10000x16xf32, #tpu.memory_space<vmem_shared>> -> memref<16x16xf32, #tpu.memory_space<vmem_shared>>
        %dma_start3A_65 = arith.constant 9984 : i32
        %dma_start3A_66 = arith.constant 0 : i32
        %dma_start3A_67 = tpu.memref_slice %arg15[%dma_start3A_65, %dma_start3A_66] : memref<10000x16xf32, #tpu.memory_space<vmem_shared>> -> memref<16x16xf32, #tpu.memory_space<vmem_shared>>
        %dma_start3A_68 = arith.constant 0 : i32
        %dma_start3A_69 = arith.constant 0 : i32
        %dma_start3A_70 = tpu.memref_slice %arg14[%dma_start3A_68, %dma_start3A_69] : memref<208x16xf32, #tpu.memory_space<vmem>> -> memref<16x16xf32, #tpu.memory_space<vmem>>
        tpu.enqueue_dma source(%dma_start3A_70 : memref<16x16xf32, #tpu.memory_space<vmem>>) target(%dma_start3A_67 : memref<16x16xf32, #tpu.memory_space<vmem_shared>>) target_semaphore(%run_scoped3A_58 : memref<!tpu.dma_semaphore, #tpu.memory_space<semaphore_mem>>)
        %dma_wait3A_71 = arith.constant 0 : i32
        %dma_wait3A_72 = arith.constant 0 : i32
        %dma_wait3A_73 = tpu.memref_slice %arg14[%dma_wait3A_71, %dma_wait3A_72] : memref<208x16xf32, #tpu.memory_space<vmem>> -> memref<16x16xf32, #tpu.memory_space<vmem>>
        %dma_wait3A_74 = arith.constant 9984 : i32
        %dma_wait3A_75 = arith.constant 0 : i32
        %dma_wait3A_76 = tpu.memref_slice %arg15[%dma_wait3A_74, %dma_wait3A_75] : memref<10000x16xf32, #tpu.memory_space<vmem_shared>> -> memref<16x16xf32, #tpu.memory_space<vmem_shared>>
        %dma_wait3A_77 = arith.constant 9984 : i32
        %dma_wait3A_78 = arith.constant 0 : i32
        %dma_wait3A_79 = tpu.memref_slice %arg15[%dma_wait3A_77, %dma_wait3A_78] : memref<10000x16xf32, #tpu.memory_space<vmem_shared>> -> memref<16x16xf32, #tpu.memory_space<vmem_shared>>
        %dma_wait3A_80 = arith.constant 0 : i32
        %dma_wait3A_81 = arith.constant 0 : i32
        %dma_wait3A_82 = tpu.memref_slice %arg14[%dma_wait3A_80, %dma_wait3A_81] : memref<208x16xf32, #tpu.memory_space<vmem>> -> memref<16x16xf32, #tpu.memory_space<vmem>>
        tpu.wait_dma2 semaphore(%run_scoped3A_58 : memref<!tpu.dma_semaphore, #tpu.memory_space<semaphore_mem>>) src(%dma_wait3A_82 : memref<16x16xf32, #tpu.memory_space<vmem>>) dst(%dma_wait3A_79 : memref<16x16xf32, #tpu.memory_space<vmem_shared>>)
        tpu.yield
      }) : () -> ()
    } else {
    }
    %barrier3A = arith.constant 0 : index
    tpu.barrier barrier_id(%barrier3A)
    %mul3A_17 = arith.constant 10000 : i32
    %mul3A_18 = arith.muli %add3A, %mul3A_17 : i32
    %scan3A_19 = arith.constant 0 : i32
    %scan3A_20 = arith.constant 0 : i32
    %scan3A_21 = arith.constant 24 : i32
    %scan3A_22 = arith.addi %scan3A_20, %scan3A_21 : i32
    %scan3A_23 = arith.constant 1 : i32
    scf.for %scan3A_58 = %scan3A_20 to %scan3A_22 step %scan3A_23  : i32 {
      %mul3A_59 = arith.constant 416 : i32
      %mul3A_60 = arith.muli %scan3A_58, %mul3A_59 : i32
      %add3A_61 = arith.addi %mul3A_18, %mul3A_60 : i32
      %add3A_62 = arith.constant 0 : i32
      %add3A_63 = arith.addi %add3A_61, %add3A_62 : i32
      %multiple_of3A_64 = tpu.assume_multiple %add3A_63, 8 : i32
      %dma_start3A_65 = arith.constant 0 : i32
      %dma_start3A_66 = tpu.memref_slice %arg3[%dma_start3A_65, %multiple_of3A_64] : memref<2x320000xi32, #tpu.memory_space<hbm>> -> memref<2x104xi32, #tpu.memory_space<hbm>>
      %dma_start3A_67 = arith.constant 0 : i32
      %dma_start3A_68 = tpu.memref_slice %arg3[%dma_start3A_67, %multiple_of3A_64] : memref<2x320000xi32, #tpu.memory_space<hbm>> -> memref<2x104xi32, #tpu.memory_space<hbm>>
      tpu.enqueue_dma source(%dma_start3A_68 : memref<2x104xi32, #tpu.memory_space<hbm>>) target(%arg5 : memref<2x104xi32, #tpu.memory_space<vmem>>) target_semaphore(%arg16 : memref<!tpu.dma_semaphore, #tpu.memory_space<semaphore_mem>>)
      %add3A_69 = arith.constant 104 : i32
      %add3A_70 = arith.addi %add3A_61, %add3A_69 : i32
      %multiple_of3A_71 = tpu.assume_multiple %add3A_70, 8 : i32
      %dma_start3A_72 = arith.constant 0 : i32
      %dma_start3A_73 = tpu.memref_slice %arg3[%dma_start3A_72, %multiple_of3A_71] : memref<2x320000xi32, #tpu.memory_space<hbm>> -> memref<2x104xi32, #tpu.memory_space<hbm>>
      %dma_start3A_74 = arith.constant 0 : i32
      %dma_start3A_75 = tpu.memref_slice %arg3[%dma_start3A_74, %multiple_of3A_71] : memref<2x320000xi32, #tpu.memory_space<hbm>> -> memref<2x104xi32, #tpu.memory_space<hbm>>
      tpu.enqueue_dma source(%dma_start3A_75 : memref<2x104xi32, #tpu.memory_space<hbm>>) target(%arg6 : memref<2x104xi32, #tpu.memory_space<vmem>>) target_semaphore(%arg17 : memref<!tpu.dma_semaphore, #tpu.memory_space<semaphore_mem>>)
      %add3A_76 = arith.constant 208 : i32
      %add3A_77 = arith.addi %add3A_61, %add3A_76 : i32
      %multiple_of3A_78 = tpu.assume_multiple %add3A_77, 8 : i32
      %dma_start3A_79 = arith.constant 0 : i32
      %dma_start3A_80 = tpu.memref_slice %arg3[%dma_start3A_79, %multiple_of3A_78] : memref<2x320000xi32, #tpu.memory_space<hbm>> -> memref<2x104xi32, #tpu.memory_space<hbm>>
      %dma_start3A_81 = arith.constant 0 : i32
      %dma_start3A_82 = tpu.memref_slice %arg3[%dma_start3A_81, %multiple_of3A_78] : memref<2x320000xi32, #tpu.memory_space<hbm>> -> memref<2x104xi32, #tpu.memory_space<hbm>>
      tpu.enqueue_dma source(%dma_start3A_82 : memref<2x104xi32, #tpu.memory_space<hbm>>) target(%arg7 : memref<2x104xi32, #tpu.memory_space<vmem>>) target_semaphore(%arg18 : memref<!tpu.dma_semaphore, #tpu.memory_space<semaphore_mem>>)
      %add3A_83 = arith.constant 312 : i32
      %add3A_84 = arith.addi %add3A_61, %add3A_83 : i32
      %multiple_of3A_85 = tpu.assume_multiple %add3A_84, 8 : i32
      %dma_start3A_86 = arith.constant 0 : i32
      %dma_start3A_87 = tpu.memref_slice %arg3[%dma_start3A_86, %multiple_of3A_85] : memref<2x320000xi32, #tpu.memory_space<hbm>> -> memref<2x104xi32, #tpu.memory_space<hbm>>
      %dma_start3A_88 = arith.constant 0 : i32
      %dma_start3A_89 = tpu.memref_slice %arg3[%dma_start3A_88, %multiple_of3A_85] : memref<2x320000xi32, #tpu.memory_space<hbm>> -> memref<2x104xi32, #tpu.memory_space<hbm>>
      tpu.enqueue_dma source(%dma_start3A_89 : memref<2x104xi32, #tpu.memory_space<hbm>>) target(%arg8 : memref<2x104xi32, #tpu.memory_space<vmem>>) target_semaphore(%arg19 : memref<!tpu.dma_semaphore, #tpu.memory_space<semaphore_mem>>)
      %dma_wait3A_90 = arith.constant 0 : i32
      %dma_wait3A_91 = tpu.memref_slice %arg3[%dma_wait3A_90, %multiple_of3A_64] : memref<2x320000xi32, #tpu.memory_space<hbm>> -> memref<2x104xi32, #tpu.memory_space<hbm>>
      %dma_wait3A_92 = arith.constant 0 : i32
      %dma_wait3A_93 = tpu.memref_slice %arg3[%dma_wait3A_92, %multiple_of3A_64] : memref<2x320000xi32, #tpu.memory_space<hbm>> -> memref<2x104xi32, #tpu.memory_space<hbm>>
      tpu.wait_dma2 semaphore(%arg16 : memref<!tpu.dma_semaphore, #tpu.memory_space<semaphore_mem>>) src(%dma_wait3A_93 : memref<2x104xi32, #tpu.memory_space<hbm>>) dst(%arg5 : memref<2x104xi32, #tpu.memory_space<vmem>>)
      %dma_start3A_94 = arith.constant 0 : i32
      %dma_start3A_95 = arith.constant 0 : i32
      %dma_start3A_96 = tpu.memref_slice %arg5[%dma_start3A_94, %dma_start3A_95] : memref<2x104xi32, #tpu.memory_space<vmem>> -> memref<1x104xi32, #tpu.memory_space<vmem>>
      %dma_start3A_97 = tpu.memref_squeeze %dma_start3A_96 : memref<1x104xi32, #tpu.memory_space<vmem>> -> memref<104xi32, #tpu.memory_space<vmem>>
      %dma_start3A_98 = arith.constant 0 : i32
      %dma_start3A_99 = arith.constant 0 : i32
      %dma_start3A_100 = tpu.memref_slice %arg2[%dma_start3A_98, %dma_start3A_99] : memref<10000x16xf32, #tpu.memory_space<hbm>> -> memref<10000x16xf32, #tpu.memory_space<hbm>>
      tpu.enqueue_indirect_dma source(%dma_start3A_100 : memref<10000x16xf32, #tpu.memory_space<hbm>>) target(%arg9 : memref<104x16xf32, #tpu.memory_space<vmem>>) offsets(%dma_start3A_97 : memref<104xi32, #tpu.memory_space<vmem>>) semaphore(%arg20 : memref<!tpu.dma_semaphore, #tpu.memory_space<semaphore_mem>>)
      %dma_wait3A_101 = arith.constant 0 : i32
      %dma_wait3A_102 = tpu.memref_slice %arg3[%dma_wait3A_101, %multiple_of3A_71] : memref<2x320000xi32, #tpu.memory_space<hbm>> -> memref<2x104xi32, #tpu.memory_space<hbm>>
      %dma_wait3A_103 = arith.constant 0 : i32
      %dma_wait3A_104 = tpu.memref_slice %arg3[%dma_wait3A_103, %multiple_of3A_71] : memref<2x320000xi32, #tpu.memory_space<hbm>> -> memref<2x104xi32, #tpu.memory_space<hbm>>
      tpu.wait_dma2 semaphore(%arg17 : memref<!tpu.dma_semaphore, #tpu.memory_space<semaphore_mem>>) src(%dma_wait3A_104 : memref<2x104xi32, #tpu.memory_space<hbm>>) dst(%arg6 : memref<2x104xi32, #tpu.memory_space<vmem>>)
      %dma_start3A_105 = arith.constant 0 : i32
      %dma_start3A_106 = arith.constant 0 : i32
      %dma_start3A_107 = tpu.memref_slice %arg6[%dma_start3A_105, %dma_start3A_106] : memref<2x104xi32, #tpu.memory_space<vmem>> -> memref<1x104xi32, #tpu.memory_space<vmem>>
      %dma_start3A_108 = tpu.memref_squeeze %dma_start3A_107 : memref<1x104xi32, #tpu.memory_space<vmem>> -> memref<104xi32, #tpu.memory_space<vmem>>
      %dma_start3A_109 = arith.constant 0 : i32
      %dma_start3A_110 = arith.constant 0 : i32
      %dma_start3A_111 = tpu.memref_slice %arg2[%dma_start3A_109, %dma_start3A_110] : memref<10000x16xf32, #tpu.memory_space<hbm>> -> memref<10000x16xf32, #tpu.memory_space<hbm>>
      tpu.enqueue_indirect_dma source(%dma_start3A_111 : memref<10000x16xf32, #tpu.memory_space<hbm>>) target(%arg10 : memref<104x16xf32, #tpu.memory_space<vmem>>) offsets(%dma_start3A_108 : memref<104xi32, #tpu.memory_space<vmem>>) semaphore(%arg21 : memref<!tpu.dma_semaphore, #tpu.memory_space<semaphore_mem>>)
      %dma_wait3A_112 = arith.constant 0 : i32
      %dma_wait3A_113 = tpu.memref_slice %arg3[%dma_wait3A_112, %multiple_of3A_78] : memref<2x320000xi32, #tpu.memory_space<hbm>> -> memref<2x104xi32, #tpu.memory_space<hbm>>
      %dma_wait3A_114 = arith.constant 0 : i32
      %dma_wait3A_115 = tpu.memref_slice %arg3[%dma_wait3A_114, %multiple_of3A_78] : memref<2x320000xi32, #tpu.memory_space<hbm>> -> memref<2x104xi32, #tpu.memory_space<hbm>>
      tpu.wait_dma2 semaphore(%arg18 : memref<!tpu.dma_semaphore, #tpu.memory_space<semaphore_mem>>) src(%dma_wait3A_115 : memref<2x104xi32, #tpu.memory_space<hbm>>) dst(%arg7 : memref<2x104xi32, #tpu.memory_space<vmem>>)
      %dma_start3A_116 = arith.constant 0 : i32
      %dma_start3A_117 = arith.constant 0 : i32
      %dma_start3A_118 = tpu.memref_slice %arg7[%dma_start3A_116, %dma_start3A_117] : memref<2x104xi32, #tpu.memory_space<vmem>> -> memref<1x104xi32, #tpu.memory_space<vmem>>
      %dma_start3A_119 = tpu.memref_squeeze %dma_start3A_118 : memref<1x104xi32, #tpu.memory_space<vmem>> -> memref<104xi32, #tpu.memory_space<vmem>>
      %dma_start3A_120 = arith.constant 0 : i32
      %dma_start3A_121 = arith.constant 0 : i32
      %dma_start3A_122 = tpu.memref_slice %arg2[%dma_start3A_120, %dma_start3A_121] : memref<10000x16xf32, #tpu.memory_space<hbm>> -> memref<10000x16xf32, #tpu.memory_space<hbm>>
      tpu.enqueue_indirect_dma source(%dma_start3A_122 : memref<10000x16xf32, #tpu.memory_space<hbm>>) target(%arg11 : memref<104x16xf32, #tpu.memory_space<vmem>>) offsets(%dma_start3A_119 : memref<104xi32, #tpu.memory_space<vmem>>) semaphore(%arg22 : memref<!tpu.dma_semaphore, #tpu.memory_space<semaphore_mem>>)
      %dma_wait3A_123 = arith.constant 0 : i32
      %dma_wait3A_124 = tpu.memref_slice %arg3[%dma_wait3A_123, %multiple_of3A_85] : memref<2x320000xi32, #tpu.memory_space<hbm>> -> memref<2x104xi32, #tpu.memory_space<hbm>>
      %dma_wait3A_125 = arith.constant 0 : i32
      %dma_wait3A_126 = tpu.memref_slice %arg3[%dma_wait3A_125, %multiple_of3A_85] : memref<2x320000xi32, #tpu.memory_space<hbm>> -> memref<2x104xi32, #tpu.memory_space<hbm>>
      tpu.wait_dma2 semaphore(%arg19 : memref<!tpu.dma_semaphore, #tpu.memory_space<semaphore_mem>>) src(%dma_wait3A_126 : memref<2x104xi32, #tpu.memory_space<hbm>>) dst(%arg8 : memref<2x104xi32, #tpu.memory_space<vmem>>)
      %dma_start3A_127 = arith.constant 0 : i32
      %dma_start3A_128 = arith.constant 0 : i32
      %dma_start3A_129 = tpu.memref_slice %arg8[%dma_start3A_127, %dma_start3A_128] : memref<2x104xi32, #tpu.memory_space<vmem>> -> memref<1x104xi32, #tpu.memory_space<vmem>>
      %dma_start3A_130 = tpu.memref_squeeze %dma_start3A_129 : memref<1x104xi32, #tpu.memory_space<vmem>> -> memref<104xi32, #tpu.memory_space<vmem>>
      %dma_start3A_131 = arith.constant 0 : i32
      %dma_start3A_132 = arith.constant 0 : i32
      %dma_start3A_133 = tpu.memref_slice %arg2[%dma_start3A_131, %dma_start3A_132] : memref<10000x16xf32, #tpu.memory_space<hbm>> -> memref<10000x16xf32, #tpu.memory_space<hbm>>
      tpu.enqueue_indirect_dma source(%dma_start3A_133 : memref<10000x16xf32, #tpu.memory_space<hbm>>) target(%arg12 : memref<104x16xf32, #tpu.memory_space<vmem>>) offsets(%dma_start3A_130 : memref<104xi32, #tpu.memory_space<vmem>>) semaphore(%arg23 : memref<!tpu.dma_semaphore, #tpu.memory_space<semaphore_mem>>)
      %dma_wait3A_134 = arith.constant 0 : i32
      %dma_wait3A_135 = arith.constant 0 : i32
      %dma_wait3A_136 = tpu.memref_slice %arg5[%dma_wait3A_134, %dma_wait3A_135] : memref<2x104xi32, #tpu.memory_space<vmem>> -> memref<1x104xi32, #tpu.memory_space<vmem>>
      %dma_wait3A_137 = tpu.memref_squeeze %dma_wait3A_136 : memref<1x104xi32, #tpu.memory_space<vmem>> -> memref<104xi32, #tpu.memory_space<vmem>>
      %dma_wait3A_138 = arith.constant 0 : i32
      %dma_wait3A_139 = arith.constant 0 : i32
      %dma_wait3A_140 = tpu.memref_slice %arg2[%dma_wait3A_138, %dma_wait3A_139] : memref<10000x16xf32, #tpu.memory_space<hbm>> -> memref<10000x16xf32, #tpu.memory_space<hbm>>
      tpu.wait_indirect_dma semaphore(%arg20 : memref<!tpu.dma_semaphore, #tpu.memory_space<semaphore_mem>>) src(%dma_wait3A_140 : memref<10000x16xf32, #tpu.memory_space<hbm>>) dst(%arg9 : memref<104x16xf32, #tpu.memory_space<vmem>>)
      %dma_start3A_141 = arith.constant 1 : i32
      %dma_start3A_142 = arith.constant 0 : i32
      %dma_start3A_143 = tpu.memref_slice %arg5[%dma_start3A_141, %dma_start3A_142] : memref<2x104xi32, #tpu.memory_space<vmem>> -> memref<1x104xi32, #tpu.memory_space<vmem>>
      %dma_start3A_144 = tpu.memref_squeeze %dma_start3A_143 : memref<1x104xi32, #tpu.memory_space<vmem>> -> memref<104xi32, #tpu.memory_space<vmem>>
      %dma_start3A_145 = arith.constant 0 : i32
      %dma_start3A_146 = arith.constant 0 : i32
      %dma_start3A_147 = tpu.memref_slice %arg15[%dma_start3A_145, %dma_start3A_146] : memref<10000x16xf32, #tpu.memory_space<vmem_shared>> -> memref<10000x16xf32, #tpu.memory_space<vmem_shared>>
      tpu.enqueue_indirect_dma source(%arg9 : memref<104x16xf32, #tpu.memory_space<vmem>>) target(%dma_start3A_147 : memref<10000x16xf32, #tpu.memory_space<vmem_shared>>) offsets(%dma_start3A_144 : memref<104xi32, #tpu.memory_space<vmem>>) semaphore(%arg24 : memref<!tpu.dma_semaphore, #tpu.memory_space<semaphore_mem>>) {add = true}
      %dma_wait3A_148 = arith.constant 0 : i32
      %dma_wait3A_149 = arith.constant 0 : i32
      %dma_wait3A_150 = tpu.memref_slice %arg6[%dma_wait3A_148, %dma_wait3A_149] : memref<2x104xi32, #tpu.memory_space<vmem>> -> memref<1x104xi32, #tpu.memory_space<vmem>>
      %dma_wait3A_151 = tpu.memref_squeeze %dma_wait3A_150 : memref<1x104xi32, #tpu.memory_space<vmem>> -> memref<104xi32, #tpu.memory_space<vmem>>
      %dma_wait3A_152 = arith.constant 0 : i32
      %dma_wait3A_153 = arith.constant 0 : i32
      %dma_wait3A_154 = tpu.memref_slice %arg2[%dma_wait3A_152, %dma_wait3A_153] : memref<10000x16xf32, #tpu.memory_space<hbm>> -> memref<10000x16xf32, #tpu.memory_space<hbm>>
      tpu.wait_indirect_dma semaphore(%arg21 : memref<!tpu.dma_semaphore, #tpu.memory_space<semaphore_mem>>) src(%dma_wait3A_154 : memref<10000x16xf32, #tpu.memory_space<hbm>>) dst(%arg10 : memref<104x16xf32, #tpu.memory_space<vmem>>)
      %dma_start3A_155 = arith.constant 1 : i32
      %dma_start3A_156 = arith.constant 0 : i32
      %dma_start3A_157 = tpu.memref_slice %arg6[%dma_start3A_155, %dma_start3A_156] : memref<2x104xi32, #tpu.memory_space<vmem>> -> memref<1x104xi32, #tpu.memory_space<vmem>>
      %dma_start3A_158 = tpu.memref_squeeze %dma_start3A_157 : memref<1x104xi32, #tpu.memory_space<vmem>> -> memref<104xi32, #tpu.memory_space<vmem>>
      %dma_start3A_159 = arith.constant 0 : i32
      %dma_start3A_160 = arith.constant 0 : i32
      %dma_start3A_161 = tpu.memref_slice %arg15[%dma_start3A_159, %dma_start3A_160] : memref<10000x16xf32, #tpu.memory_space<vmem_shared>> -> memref<10000x16xf32, #tpu.memory_space<vmem_shared>>
      tpu.enqueue_indirect_dma source(%arg10 : memref<104x16xf32, #tpu.memory_space<vmem>>) target(%dma_start3A_161 : memref<10000x16xf32, #tpu.memory_space<vmem_shared>>) offsets(%dma_start3A_158 : memref<104xi32, #tpu.memory_space<vmem>>) semaphore(%arg25 : memref<!tpu.dma_semaphore, #tpu.memory_space<semaphore_mem>>) {add = true}
      %dma_wait3A_162 = arith.constant 0 : i32
      %dma_wait3A_163 = arith.constant 0 : i32
      %dma_wait3A_164 = tpu.memref_slice %arg7[%dma_wait3A_162, %dma_wait3A_163] : memref<2x104xi32, #tpu.memory_space<vmem>> -> memref<1x104xi32, #tpu.memory_space<vmem>>
      %dma_wait3A_165 = tpu.memref_squeeze %dma_wait3A_164 : memref<1x104xi32, #tpu.memory_space<vmem>> -> memref<104xi32, #tpu.memory_space<vmem>>
      %dma_wait3A_166 = arith.constant 0 : i32
      %dma_wait3A_167 = arith.constant 0 : i32
      %dma_wait3A_168 = tpu.memref_slice %arg2[%dma_wait3A_166, %dma_wait3A_167] : memref<10000x16xf32, #tpu.memory_space<hbm>> -> memref<10000x16xf32, #tpu.memory_space<hbm>>
      tpu.wait_indirect_dma semaphore(%arg22 : memref<!tpu.dma_semaphore, #tpu.memory_space<semaphore_mem>>) src(%dma_wait3A_168 : memref<10000x16xf32, #tpu.memory_space<hbm>>) dst(%arg11 : memref<104x16xf32, #tpu.memory_space<vmem>>)
      %dma_start3A_169 = arith.constant 1 : i32
      %dma_start3A_170 = arith.constant 0 : i32
      %dma_start3A_171 = tpu.memref_slice %arg7[%dma_start3A_169, %dma_start3A_170] : memref<2x104xi32, #tpu.memory_space<vmem>> -> memref<1x104xi32, #tpu.memory_space<vmem>>
      %dma_start3A_172 = tpu.memref_squeeze %dma_start3A_171 : memref<1x104xi32, #tpu.memory_space<vmem>> -> memref<104xi32, #tpu.memory_space<vmem>>
      %dma_start3A_173 = arith.constant 0 : i32
      %dma_start3A_174 = arith.constant 0 : i32
      %dma_start3A_175 = tpu.memref_slice %arg15[%dma_start3A_173, %dma_start3A_174] : memref<10000x16xf32, #tpu.memory_space<vmem_shared>> -> memref<10000x16xf32, #tpu.memory_space<vmem_shared>>
      tpu.enqueue_indirect_dma source(%arg11 : memref<104x16xf32, #tpu.memory_space<vmem>>) target(%dma_start3A_175 : memref<10000x16xf32, #tpu.memory_space<vmem_shared>>) offsets(%dma_start3A_172 : memref<104xi32, #tpu.memory_space<vmem>>) semaphore(%arg26 : memref<!tpu.dma_semaphore, #tpu.memory_space<semaphore_mem>>) {add = true}
      %dma_wait3A_176 = arith.constant 0 : i32
      %dma_wait3A_177 = arith.constant 0 : i32
      %dma_wait3A_178 = tpu.memref_slice %arg8[%dma_wait3A_176, %dma_wait3A_177] : memref<2x104xi32, #tpu.memory_space<vmem>> -> memref<1x104xi32, #tpu.memory_space<vmem>>
      %dma_wait3A_179 = tpu.memref_squeeze %dma_wait3A_178 : memref<1x104xi32, #tpu.memory_space<vmem>> -> memref<104xi32, #tpu.memory_space<vmem>>
      %dma_wait3A_180 = arith.constant 0 : i32
      %dma_wait3A_181 = arith.constant 0 : i32
      %dma_wait3A_182 = tpu.memref_slice %arg2[%dma_wait3A_180, %dma_wait3A_181] : memref<10000x16xf32, #tpu.memory_space<hbm>> -> memref<10000x16xf32, #tpu.memory_space<hbm>>
      tpu.wait_indirect_dma semaphore(%arg23 : memref<!tpu.dma_semaphore, #tpu.memory_space<semaphore_mem>>) src(%dma_wait3A_182 : memref<10000x16xf32, #tpu.memory_space<hbm>>) dst(%arg12 : memref<104x16xf32, #tpu.memory_space<vmem>>)
      %dma_start3A_183 = arith.constant 1 : i32
      %dma_start3A_184 = arith.constant 0 : i32
      %dma_start3A_185 = tpu.memref_slice %arg8[%dma_start3A_183, %dma_start3A_184] : memref<2x104xi32, #tpu.memory_space<vmem>> -> memref<1x104xi32, #tpu.memory_space<vmem>>
      %dma_start3A_186 = tpu.memref_squeeze %dma_start3A_185 : memref<1x104xi32, #tpu.memory_space<vmem>> -> memref<104xi32, #tpu.memory_space<vmem>>
      %dma_start3A_187 = arith.constant 0 : i32
      %dma_start3A_188 = arith.constant 0 : i32
      %dma_start3A_189 = tpu.memref_slice %arg15[%dma_start3A_187, %dma_start3A_188] : memref<10000x16xf32, #tpu.memory_space<vmem_shared>> -> memref<10000x16xf32, #tpu.memory_space<vmem_shared>>
      tpu.enqueue_indirect_dma source(%arg12 : memref<104x16xf32, #tpu.memory_space<vmem>>) target(%dma_start3A_189 : memref<10000x16xf32, #tpu.memory_space<vmem_shared>>) offsets(%dma_start3A_186 : memref<104xi32, #tpu.memory_space<vmem>>) semaphore(%arg27 : memref<!tpu.dma_semaphore, #tpu.memory_space<semaphore_mem>>) {add = true}
      %dma_wait3A_190 = arith.constant 1 : i32
      %dma_wait3A_191 = arith.constant 0 : i32
      %dma_wait3A_192 = tpu.memref_slice %arg5[%dma_wait3A_190, %dma_wait3A_191] : memref<2x104xi32, #tpu.memory_space<vmem>> -> memref<1x104xi32, #tpu.memory_space<vmem>>
      %dma_wait3A_193 = tpu.memref_squeeze %dma_wait3A_192 : memref<1x104xi32, #tpu.memory_space<vmem>> -> memref<104xi32, #tpu.memory_space<vmem>>
      %dma_wait3A_194 = arith.constant 0 : i32
      %dma_wait3A_195 = arith.constant 0 : i32
      %dma_wait3A_196 = tpu.memref_slice %arg15[%dma_wait3A_194, %dma_wait3A_195] : memref<10000x16xf32, #tpu.memory_space<vmem_shared>> -> memref<10000x16xf32, #tpu.memory_space<vmem_shared>>
      tpu.wait_indirect_dma semaphore(%arg24 : memref<!tpu.dma_semaphore, #tpu.memory_space<semaphore_mem>>) src(%arg9 : memref<104x16xf32, #tpu.memory_space<vmem>>) dst(%dma_wait3A_196 : memref<10000x16xf32, #tpu.memory_space<vmem_shared>>)
      %dma_wait3A_197 = arith.constant 1 : i32
      %dma_wait3A_198 = arith.constant 0 : i32
      %dma_wait3A_199 = tpu.memref_slice %arg6[%dma_wait3A_197, %dma_wait3A_198] : memref<2x104xi32, #tpu.memory_space<vmem>> -> memref<1x104xi32, #tpu.memory_space<vmem>>
      %dma_wait3A_200 = tpu.memref_squeeze %dma_wait3A_199 : memref<1x104xi32, #tpu.memory_space<vmem>> -> memref<104xi32, #tpu.memory_space<vmem>>
      %dma_wait3A_201 = arith.constant 0 : i32
      %dma_wait3A_202 = arith.constant 0 : i32
      %dma_wait3A_203 = tpu.memref_slice %arg15[%dma_wait3A_201, %dma_wait3A_202] : memref<10000x16xf32, #tpu.memory_space<vmem_shared>> -> memref<10000x16xf32, #tpu.memory_space<vmem_shared>>
      tpu.wait_indirect_dma semaphore(%arg25 : memref<!tpu.dma_semaphore, #tpu.memory_space<semaphore_mem>>) src(%arg10 : memref<104x16xf32, #tpu.memory_space<vmem>>) dst(%dma_wait3A_203 : memref<10000x16xf32, #tpu.memory_space<vmem_shared>>)
      %dma_wait3A_204 = arith.constant 1 : i32
      %dma_wait3A_205 = arith.constant 0 : i32
      %dma_wait3A_206 = tpu.memref_slice %arg7[%dma_wait3A_204, %dma_wait3A_205] : memref<2x104xi32, #tpu.memory_space<vmem>> -> memref<1x104xi32, #tpu.memory_space<vmem>>
      %dma_wait3A_207 = tpu.memref_squeeze %dma_wait3A_206 : memref<1x104xi32, #tpu.memory_space<vmem>> -> memref<104xi32, #tpu.memory_space<vmem>>
      %dma_wait3A_208 = arith.constant 0 : i32
      %dma_wait3A_209 = arith.constant 0 : i32
      %dma_wait3A_210 = tpu.memref_slice %arg15[%dma_wait3A_208, %dma_wait3A_209] : memref<10000x16xf32, #tpu.memory_space<vmem_shared>> -> memref<10000x16xf32, #tpu.memory_space<vmem_shared>>
      tpu.wait_indirect_dma semaphore(%arg26 : memref<!tpu.dma_semaphore, #tpu.memory_space<semaphore_mem>>) src(%arg11 : memref<104x16xf32, #tpu.memory_space<vmem>>) dst(%dma_wait3A_210 : memref<10000x16xf32, #tpu.memory_space<vmem_shared>>)
      %dma_wait3A_211 = arith.constant 1 : i32
      %dma_wait3A_212 = arith.constant 0 : i32
      %dma_wait3A_213 = tpu.memref_slice %arg8[%dma_wait3A_211, %dma_wait3A_212] : memref<2x104xi32, #tpu.memory_space<vmem>> -> memref<1x104xi32, #tpu.memory_space<vmem>>
      %dma_wait3A_214 = tpu.memref_squeeze %dma_wait3A_213 : memref<1x104xi32, #tpu.memory_space<vmem>> -> memref<104xi32, #tpu.memory_space<vmem>>
      %dma_wait3A_215 = arith.constant 0 : i32
      %dma_wait3A_216 = arith.constant 0 : i32
      %dma_wait3A_217 = tpu.memref_slice %arg15[%dma_wait3A_215, %dma_wait3A_216] : memref<10000x16xf32, #tpu.memory_space<vmem_shared>> -> memref<10000x16xf32, #tpu.memory_space<vmem_shared>>
      tpu.wait_indirect_dma semaphore(%arg27 : memref<!tpu.dma_semaphore, #tpu.memory_space<semaphore_mem>>) src(%arg12 : memref<104x16xf32, #tpu.memory_space<vmem>>) dst(%dma_wait3A_217 : memref<10000x16xf32, #tpu.memory_space<vmem_shared>>)
    }
    %scan3A_24 = arith.constant 24 : i32
    %add3A_25 = arith.constant 9984 : i32
    %add3A_26 = arith.addi %mul3A_18, %add3A_25 : i32
    %multiple_of3A_27 = tpu.assume_multiple %add3A_26, 8 : i32
    "tpu.region"() ({
      %run_scoped3A_58 = tpu.sem_alloc : memref<!tpu.dma_semaphore, #tpu.memory_space<semaphore_mem>>
      %dma_start3A_59 = arith.constant 0 : i32
      %dma_start3A_60 = tpu.memref_slice %arg3[%dma_start3A_59, %multiple_of3A_27] : memref<2x320000xi32, #tpu.memory_space<hbm>> -> memref<2x16xi32, #tpu.memory_space<hbm>>
      %dma_start3A_61 = arith.constant 0 : i32
      %dma_start3A_62 = tpu.memref_slice %arg3[%dma_start3A_61, %multiple_of3A_27] : memref<2x320000xi32, #tpu.memory_space<hbm>> -> memref<2x16xi32, #tpu.memory_space<hbm>>
      tpu.enqueue_dma source(%dma_start3A_62 : memref<2x16xi32, #tpu.memory_space<hbm>>) target(%arg13 : memref<2x16xi32, #tpu.memory_space<vmem>>) target_semaphore(%run_scoped3A_58 : memref<!tpu.dma_semaphore, #tpu.memory_space<semaphore_mem>>)
      %dma_wait3A_63 = arith.constant 0 : i32
      %dma_wait3A_64 = tpu.memref_slice %arg3[%dma_wait3A_63, %multiple_of3A_27] : memref<2x320000xi32, #tpu.memory_space<hbm>> -> memref<2x16xi32, #tpu.memory_space<hbm>>
      %dma_wait3A_65 = arith.constant 0 : i32
      %dma_wait3A_66 = tpu.memref_slice %arg3[%dma_wait3A_65, %multiple_of3A_27] : memref<2x320000xi32, #tpu.memory_space<hbm>> -> memref<2x16xi32, #tpu.memory_space<hbm>>
      tpu.wait_dma2 semaphore(%run_scoped3A_58 : memref<!tpu.dma_semaphore, #tpu.memory_space<semaphore_mem>>) src(%dma_wait3A_66 : memref<2x16xi32, #tpu.memory_space<hbm>>) dst(%arg13 : memref<2x16xi32, #tpu.memory_space<vmem>>)
      tpu.yield
    }) : () -> ()
    %dma_start3A = arith.constant 0 : i32
    %dma_start3A_28 = arith.constant 0 : i32
    %dma_start3A_29 = arith.constant 0 : i32
    %dma_start3A_30 = tpu.memref_slice %arg9[%dma_start3A_28, %dma_start3A_29] : memref<104x16xf32, #tpu.memory_space<vmem>> -> memref<16x16xf32, #tpu.memory_space<vmem>>
    %dma_start3A_31 = arith.constant 0 : i32
    %dma_start3A_32 = tpu.memref_slice %arg13[%dma_start3A, %dma_start3A_31] : memref<2x16xi32, #tpu.memory_space<vmem>> -> memref<1x16xi32, #tpu.memory_space<vmem>>
    %dma_start3A_33 = tpu.memref_squeeze %dma_start3A_32 : memref<1x16xi32, #tpu.memory_space<vmem>> -> memref<16xi32, #tpu.memory_space<vmem>>
    %dma_start3A_34 = arith.constant 0 : i32
    %dma_start3A_35 = arith.constant 0 : i32
    %dma_start3A_36 = tpu.memref_slice %arg2[%dma_start3A_34, %dma_start3A_35] : memref<10000x16xf32, #tpu.memory_space<hbm>> -> memref<10000x16xf32, #tpu.memory_space<hbm>>
    tpu.enqueue_indirect_dma source(%dma_start3A_36 : memref<10000x16xf32, #tpu.memory_space<hbm>>) target(%dma_start3A_30 : memref<16x16xf32, #tpu.memory_space<vmem>>) offsets(%dma_start3A_33 : memref<16xi32, #tpu.memory_space<vmem>>) semaphore(%arg20 : memref<!tpu.dma_semaphore, #tpu.memory_space<semaphore_mem>>)
    %dma_wait3A = arith.constant 0 : i32
    %dma_wait3A_37 = arith.constant 0 : i32
    %dma_wait3A_38 = arith.constant 0 : i32
    %dma_wait3A_39 = tpu.memref_slice %arg9[%dma_wait3A_37, %dma_wait3A_38] : memref<104x16xf32, #tpu.memory_space<vmem>> -> memref<16x16xf32, #tpu.memory_space<vmem>>
    %dma_wait3A_40 = arith.constant 0 : i32
    %dma_wait3A_41 = tpu.memref_slice %arg13[%dma_wait3A, %dma_wait3A_40] : memref<2x16xi32, #tpu.memory_space<vmem>> -> memref<1x16xi32, #tpu.memory_space<vmem>>
    %dma_wait3A_42 = tpu.memref_squeeze %dma_wait3A_41 : memref<1x16xi32, #tpu.memory_space<vmem>> -> memref<16xi32, #tpu.memory_space<vmem>>
    %dma_wait3A_43 = arith.constant 0 : i32
    %dma_wait3A_44 = arith.constant 0 : i32
    %dma_wait3A_45 = tpu.memref_slice %arg2[%dma_wait3A_43, %dma_wait3A_44] : memref<10000x16xf32, #tpu.memory_space<hbm>> -> memref<10000x16xf32, #tpu.memory_space<hbm>>
    tpu.wait_indirect_dma semaphore(%arg20 : memref<!tpu.dma_semaphore, #tpu.memory_space<semaphore_mem>>) src(%dma_wait3A_45 : memref<10000x16xf32, #tpu.memory_space<hbm>>) dst(%dma_wait3A_39 : memref<16x16xf32, #tpu.memory_space<vmem>>)
    %run_scoped3A = arith.constant 1 : i32
    "tpu.region"() ({
      %run_scoped3A_58 = tpu.sem_alloc : memref<!tpu.dma_semaphore, #tpu.memory_space<semaphore_mem>>
      %dma_start3A_59 = arith.constant 0 : i32
      %dma_start3A_60 = arith.constant 0 : i32
      %dma_start3A_61 = tpu.memref_slice %arg9[%dma_start3A_59, %dma_start3A_60] : memref<104x16xf32, #tpu.memory_space<vmem>> -> memref<16x16xf32, #tpu.memory_space<vmem>>
      %dma_start3A_62 = arith.constant 0 : i32
      %dma_start3A_63 = tpu.memref_slice %arg13[%run_scoped3A, %dma_start3A_62] : memref<2x16xi32, #tpu.memory_space<vmem>> -> memref<1x16xi32, #tpu.memory_space<vmem>>
      %dma_start3A_64 = tpu.memref_squeeze %dma_start3A_63 : memref<1x16xi32, #tpu.memory_space<vmem>> -> memref<16xi32, #tpu.memory_space<vmem>>
      %dma_start3A_65 = arith.constant 0 : i32
      %dma_start3A_66 = arith.constant 0 : i32
      %dma_start3A_67 = tpu.memref_slice %arg15[%dma_start3A_65, %dma_start3A_66] : memref<10000x16xf32, #tpu.memory_space<vmem_shared>> -> memref<10000x16xf32, #tpu.memory_space<vmem_shared>>
      tpu.enqueue_indirect_dma source(%dma_start3A_61 : memref<16x16xf32, #tpu.memory_space<vmem>>) target(%dma_start3A_67 : memref<10000x16xf32, #tpu.memory_space<vmem_shared>>) offsets(%dma_start3A_64 : memref<16xi32, #tpu.memory_space<vmem>>) semaphore(%run_scoped3A_58 : memref<!tpu.dma_semaphore, #tpu.memory_space<semaphore_mem>>) {add = true}
      %dma_wait3A_68 = arith.constant 0 : i32
      %dma_wait3A_69 = arith.constant 0 : i32
      %dma_wait3A_70 = tpu.memref_slice %arg9[%dma_wait3A_68, %dma_wait3A_69] : memref<104x16xf32, #tpu.memory_space<vmem>> -> memref<16x16xf32, #tpu.memory_space<vmem>>
      %dma_wait3A_71 = arith.constant 0 : i32
      %dma_wait3A_72 = tpu.memref_slice %arg13[%run_scoped3A, %dma_wait3A_71] : memref<2x16xi32, #tpu.memory_space<vmem>> -> memref<1x16xi32, #tpu.memory_space<vmem>>
      %dma_wait3A_73 = tpu.memref_squeeze %dma_wait3A_72 : memref<1x16xi32, #tpu.memory_space<vmem>> -> memref<16xi32, #tpu.memory_space<vmem>>
      %dma_wait3A_74 = arith.constant 0 : i32
      %dma_wait3A_75 = arith.constant 0 : i32
      %dma_wait3A_76 = tpu.memref_slice %arg15[%dma_wait3A_74, %dma_wait3A_75] : memref<10000x16xf32, #tpu.memory_space<vmem_shared>> -> memref<10000x16xf32, #tpu.memory_space<vmem_shared>>
      tpu.wait_indirect_dma semaphore(%run_scoped3A_58 : memref<!tpu.dma_semaphore, #tpu.memory_space<semaphore_mem>>) src(%dma_wait3A_70 : memref<16x16xf32, #tpu.memory_space<vmem>>) dst(%dma_wait3A_76 : memref<10000x16xf32, #tpu.memory_space<vmem_shared>>)
      tpu.yield
    }) : () -> ()
    %barrier3A_46 = arith.constant 0 : index
    tpu.barrier barrier_id(%barrier3A_46)
    %scan3A_47 = arith.constant 0 : i32
    %scan3A_48 = arith.constant 0 : i32
    %scan3A_49 = arith.constant 3 : i32
    %scan3A_50 = arith.addi %scan3A_48, %scan3A_49 : i32
    %scan3A_51 = arith.constant 1 : i32
    scf.for %scan3A_58 = %scan3A_48 to %scan3A_50 step %scan3A_51  : i32 {
      %mul3A_59 = arith.constant 208 : i32
      %mul3A_60 = arith.muli %scan3A_58, %mul3A_59 : i32
      %add3A_61 = arith.addi %multiple_of3A, %mul3A_60 : i32
      %multiple_of3A_62 = tpu.assume_multiple %add3A_61, 8 : i32
      "tpu.region"() ({
        %run_scoped3A_63 = tpu.sem_alloc : memref<!tpu.dma_semaphore, #tpu.memory_space<semaphore_mem>>
        %dma_start3A_64 = arith.constant 0 : i32
        %dma_start3A_65 = arith.constant 0 : i32
        %dma_start3A_66 = tpu.memref_slice %arg4[%arg0, %dma_start3A_64, %dma_start3A_65] : memref<2x10000x16xf32, #tpu.memory_space<hbm>> -> memref<1x10000x16xf32, #tpu.memory_space<hbm>>
        %dma_start3A_67 = tpu.memref_squeeze %dma_start3A_66 : memref<1x10000x16xf32, #tpu.memory_space<hbm>> -> memref<10000x16xf32, #tpu.memory_space<hbm>>
        %dma_start3A_68 = arith.constant 0 : i32
        %dma_start3A_69 = tpu.memref_slice %dma_start3A_67[%multiple_of3A_62, %dma_start3A_68] : memref<10000x16xf32, #tpu.memory_space<hbm>> -> memref<208x16xf32, #tpu.memory_space<hbm>>
        %dma_start3A_70 = arith.constant 0 : i32
        %dma_start3A_71 = tpu.memref_slice %arg15[%multiple_of3A_62, %dma_start3A_70] : memref<10000x16xf32, #tpu.memory_space<vmem_shared>> -> memref<208x16xf32, #tpu.memory_space<vmem_shared>>
        tpu.enqueue_dma source(%dma_start3A_71 : memref<208x16xf32, #tpu.memory_space<vmem_shared>>) target(%dma_start3A_69 : memref<208x16xf32, #tpu.memory_space<hbm>>) target_semaphore(%run_scoped3A_63 : memref<!tpu.dma_semaphore, #tpu.memory_space<semaphore_mem>>)
        %dma_wait3A_72 = arith.constant 0 : i32
        %dma_wait3A_73 = arith.constant 0 : i32
        %dma_wait3A_74 = tpu.memref_slice %arg4[%arg0, %dma_wait3A_72, %dma_wait3A_73] : memref<2x10000x16xf32, #tpu.memory_space<hbm>> -> memref<1x10000x16xf32, #tpu.memory_space<hbm>>
        %dma_wait3A_75 = tpu.memref_squeeze %dma_wait3A_74 : memref<1x10000x16xf32, #tpu.memory_space<hbm>> -> memref<10000x16xf32, #tpu.memory_space<hbm>>
        %dma_wait3A_76 = arith.constant 0 : i32
        %dma_wait3A_77 = tpu.memref_slice %dma_wait3A_75[%multiple_of3A_62, %dma_wait3A_76] : memref<10000x16xf32, #tpu.memory_space<hbm>> -> memref<208x16xf32, #tpu.memory_space<hbm>>
        %dma_wait3A_78 = arith.constant 0 : i32
        %dma_wait3A_79 = tpu.memref_slice %arg15[%multiple_of3A_62, %dma_wait3A_78] : memref<10000x16xf32, #tpu.memory_space<vmem_shared>> -> memref<208x16xf32, #tpu.memory_space<vmem_shared>>
        tpu.wait_dma2 semaphore(%run_scoped3A_63 : memref<!tpu.dma_semaphore, #tpu.memory_space<semaphore_mem>>) src(%dma_wait3A_79 : memref<208x16xf32, #tpu.memory_space<vmem_shared>>) dst(%dma_wait3A_77 : memref<208x16xf32, #tpu.memory_space<hbm>>)
        tpu.yield
      }) : () -> ()
    }
    %scan3A_52 = arith.constant 3 : i32
    %eq3A_53 = arith.constant 15 : i32
    %eq3A_54 = arith.cmpi eq, %arg1, %eq3A_53 : i32
    %convert_element_type3A_55 = arith.extui %eq3A_54 : i1 to i32
    %cond3A_56 = arith.constant 0 : i32
    %cond3A_57 = arith.cmpi ne, %convert_element_type3A_55, %cond3A_56 : i32
    scf.if %cond3A_57 {
      "tpu.region"() ({
        %run_scoped3A_58 = tpu.sem_alloc : memref<!tpu.dma_semaphore, #tpu.memory_space<semaphore_mem>>
        %dma_start3A_59 = arith.constant 0 : i32
        %dma_start3A_60 = arith.constant 0 : i32
        %dma_start3A_61 = tpu.memref_slice %arg4[%arg0, %dma_start3A_59, %dma_start3A_60] : memref<2x10000x16xf32, #tpu.memory_space<hbm>> -> memref<1x10000x16xf32, #tpu.memory_space<hbm>>
        %dma_start3A_62 = tpu.memref_squeeze %dma_start3A_61 : memref<1x10000x16xf32, #tpu.memory_space<hbm>> -> memref<10000x16xf32, #tpu.memory_space<hbm>>
        %dma_start3A_63 = arith.constant 9984 : i32
        %dma_start3A_64 = arith.constant 0 : i32
        %dma_start3A_65 = tpu.memref_slice %dma_start3A_62[%dma_start3A_63, %dma_start3A_64] : memref<10000x16xf32, #tpu.memory_space<hbm>> -> memref<16x16xf32, #tpu.memory_space<hbm>>
        %dma_start3A_66 = arith.constant 9984 : i32
        %dma_start3A_67 = arith.constant 0 : i32
        %dma_start3A_68 = tpu.memref_slice %arg15[%dma_start3A_66, %dma_start3A_67] : memref<10000x16xf32, #tpu.memory_space<vmem_shared>> -> memref<16x16xf32, #tpu.memory_space<vmem_shared>>
        tpu.enqueue_dma source(%dma_start3A_68 : memref<16x16xf32, #tpu.memory_space<vmem_shared>>) target(%dma_start3A_65 : memref<16x16xf32, #tpu.memory_space<hbm>>) target_semaphore(%run_scoped3A_58 : memref<!tpu.dma_semaphore, #tpu.memory_space<semaphore_mem>>)
        %dma_wait3A_69 = arith.constant 0 : i32
        %dma_wait3A_70 = arith.constant 0 : i32
        %dma_wait3A_71 = tpu.memref_slice %arg4[%arg0, %dma_wait3A_69, %dma_wait3A_70] : memref<2x10000x16xf32, #tpu.memory_space<hbm>> -> memref<1x10000x16xf32, #tpu.memory_space<hbm>>
        %dma_wait3A_72 = tpu.memref_squeeze %dma_wait3A_71 : memref<1x10000x16xf32, #tpu.memory_space<hbm>> -> memref<10000x16xf32, #tpu.memory_space<hbm>>
        %dma_wait3A_73 = arith.constant 9984 : i32
        %dma_wait3A_74 = arith.constant 0 : i32
        %dma_wait3A_75 = tpu.memref_slice %dma_wait3A_72[%dma_wait3A_73, %dma_wait3A_74] : memref<10000x16xf32, #tpu.memory_space<hbm>> -> memref<16x16xf32, #tpu.memory_space<hbm>>
        %dma_wait3A_76 = arith.constant 9984 : i32
        %dma_wait3A_77 = arith.constant 0 : i32
        %dma_wait3A_78 = tpu.memref_slice %arg15[%dma_wait3A_76, %dma_wait3A_77] : memref<10000x16xf32, #tpu.memory_space<vmem_shared>> -> memref<16x16xf32, #tpu.memory_space<vmem_shared>>
        tpu.wait_dma2 semaphore(%run_scoped3A_58 : memref<!tpu.dma_semaphore, #tpu.memory_space<semaphore_mem>>) src(%dma_wait3A_78 : memref<16x16xf32, #tpu.memory_space<vmem_shared>>) dst(%dma_wait3A_75 : memref<16x16xf32, #tpu.memory_space<hbm>>)
        tpu.yield
      }) : () -> ()
    } else {
    }
    return
  }
}

#map = affine_map<(d0, d1) -> (0, 0)>
#map1 = affine_map<(d0, d1) -> (0, 0, 0)>
module attributes {stable_mosaic.version = 14 : i64} {
  func.func @seg_sum(%arg0: i32, %arg1: i32, %arg2: memref<10000x80xf32, #tpu.memory_space<hbm>>, %arg3: memref<2x320000xi32, #tpu.memory_space<hbm>>, %arg4: memref<2x10000x80xf32, #tpu.memory_space<hbm>>, %arg5: memref<2x104xi32, #tpu.memory_space<vmem>>, %arg6: memref<2x104xi32, #tpu.memory_space<vmem>>, %arg7: memref<2x104xi32, #tpu.memory_space<vmem>>, %arg8: memref<2x104xi32, #tpu.memory_space<vmem>>, %arg9: memref<104x80xf32, #tpu.memory_space<vmem>>, %arg10: memref<104x80xf32, #tpu.memory_space<vmem>>, %arg11: memref<104x80xf32, #tpu.memory_space<vmem>>, %arg12: memref<104x80xf32, #tpu.memory_space<vmem>>, %arg13: memref<2x16xi32, #tpu.memory_space<vmem>>, %arg14: memref<208x80xf32, #tpu.memory_space<vmem>>, %arg15: memref<10000x80xf32, #tpu.memory_space<vmem_shared>>, %arg16: memref<!tpu.dma_semaphore, #tpu.memory_space<semaphore_mem>>, %arg17: memref<!tpu.dma_semaphore, #tpu.memory_space<semaphore_mem>>, %arg18: memref<!tpu.dma_semaphore, #tpu.memory_space<semaphore_mem>>, %arg19: memref<!tpu.dma_semaphore, #tpu.memory_space<semaphore_mem>>, %arg20: memref<!tpu.dma_semaphore, #tpu.memory_space<semaphore_mem>>, %arg21: memref<!tpu.dma_semaphore, #tpu.memory_space<semaphore_mem>>, %arg22: memref<!tpu.dma_semaphore, #tpu.memory_space<semaphore_mem>>, %arg23: memref<!tpu.dma_semaphore, #tpu.memory_space<semaphore_mem>>, %arg24: memref<!tpu.dma_semaphore, #tpu.memory_space<semaphore_mem>>, %arg25: memref<!tpu.dma_semaphore, #tpu.memory_space<semaphore_mem>>, %arg26: memref<!tpu.dma_semaphore, #tpu.memory_space<semaphore_mem>>, %arg27: memref<!tpu.dma_semaphore, #tpu.memory_space<semaphore_mem>>) attributes {dimension_semantics = [#tpu.dimension_semantics<core_parallel>, #tpu.dimension_semantics<subcore_parallel>], iteration_bounds = array<i64: 2, 16>, scalar_prefetch = 0 : i64, scratch_operands = 23 : i64, tpu.core_type = #tpu.core_type<sc_vector_subcore>, window_params = [{transform_indices = #map}, {transform_indices = #map}, {transform_indices = #map1}]} {
    %mul3A = arith.constant 2 : i32
    %mul3A_0 = arith.muli %arg1, %mul3A : i32
    %add3A = arith.addi %mul3A_0, %arg0 : i32
    %broadcast_in_dim3A = arith.constant 0.000000e+00 : f32
    %broadcast_in_dim3A_1 = vector.broadcast %broadcast_in_dim3A : f32 to vector<16xf32>
    %scan3A = arith.constant 0 : i32
    %scan3A_2 = arith.constant 0 : i32
    %scan3A_3 = arith.constant 1040 : i32
    %scan3A_4 = arith.addi %scan3A_2, %scan3A_3 : i32
    %scan3A_5 = arith.constant 1 : i32
    scf.for %scan3A_58 = %scan3A_2 to %scan3A_4 step %scan3A_5  : i32 {
      %jit3A = arith.constant 5 : i32
      %div3A = arith.divsi %scan3A_58, %jit3A : i32
      %sign3A = arith.constant 0 : i32
      %sign3A_59 = arith.cmpi sgt, %scan3A_58, %sign3A : i32
      %sign3A_60 = arith.extui %sign3A_59 : i1 to i32
      %sign3A_61 = arith.constant 0 : i32
      %sign3A_62 = arith.cmpi slt, %scan3A_58, %sign3A_61 : i32
      %sign3A_63 = arith.extui %sign3A_62 : i1 to i32
      %sign3A_64 = arith.subi %sign3A_60, %sign3A_63 : i32
      %sign3A_65 = arith.constant 0 : i32
      %sign3A_66 = arith.cmpi sgt, %jit3A, %sign3A_65 : i32
      %sign3A_67 = arith.extui %sign3A_66 : i1 to i32
      %sign3A_68 = arith.constant 0 : i32
      %sign3A_69 = arith.cmpi slt, %jit3A, %sign3A_68 : i32
      %sign3A_70 = arith.extui %sign3A_69 : i1 to i32
      %sign3A_71 = arith.subi %sign3A_67, %sign3A_70 : i32
      %ne3A = arith.cmpi ne, %sign3A_64, %sign3A_71 : i32
      %rem3A = arith.remsi %scan3A_58, %jit3A : i32
      %ne3A_72 = arith.constant 0 : i32
      %ne3A_73 = arith.cmpi ne, %rem3A, %ne3A_72 : i32
      %and3A = arith.andi %ne3A, %ne3A_73 : i1
      %sub3A = arith.constant 1 : i32
      %sub3A_74 = arith.subi %div3A, %sub3A : i32
      %select_n3A = arith.select %and3A, %sub3A_74, %div3A : i32
      %jit3A_75 = arith.constant 5 : i32
      %eq3A_76 = arith.constant 0 : i32
      %eq3A_77 = arith.cmpi eq, %jit3A_75, %eq3A_76 : i32
      %jit3A_78 = arith.constant 1 : i32
      %select_n3A_79 = arith.select %eq3A_77, %jit3A_78, %jit3A_75 : i32
      %rem3A_80 = arith.remsi %scan3A_58, %select_n3A_79 : i32
      %ne3A_81 = arith.constant 0 : i32
      %ne3A_82 = arith.cmpi ne, %rem3A_80, %ne3A_81 : i32
      %lt3A = arith.constant 0 : i32
      %lt3A_83 = arith.cmpi slt, %rem3A_80, %lt3A : i32
      %lt3A_84 = arith.constant 0 : i32
      %lt3A_85 = arith.cmpi slt, %select_n3A_79, %lt3A_84 : i32
      %ne3A_86 = arith.xori %lt3A_83, %lt3A_85 : i1
      %and3A_87 = arith.andi %ne3A_86, %ne3A_82 : i1
      %add3A_88 = arith.addi %rem3A_80, %select_n3A_79 : i32
      %select_n3A_89 = arith.select %and3A_87, %add3A_88, %rem3A_80 : i32
      %mul3A_90 = arith.constant 16 : i32
      %mul3A_91 = arith.muli %select_n3A_89, %mul3A_90 : i32
      %swap3A = arith.index_cast %select_n3A : i32 to index
      %swap3A_92 = arith.index_cast %mul3A_91 : i32 to index
      %swap3A_93 = tpu.vector_load %arg14[%swap3A, %swap3A_92] {strides = array<i32>} : memref<208x80xf32, #tpu.memory_space<vmem>>, vector<1x16xf32>,
      %swap3A_94 = vector.shape_cast %swap3A_93 : vector<1x16xf32> to vector<16xf32>
      %swap3A_95 = vector.shape_cast %broadcast_in_dim3A_1 : vector<16xf32> to vector<1x16xf32>
      tpu.vector_store %arg14[%swap3A, %swap3A_92], %swap3A_95 {strides = array<i32>} : memref<208x80xf32, #tpu.memory_space<vmem>>, vector<1x16xf32>,
    }
    %scan3A_6 = arith.constant 1040 : i32
    %mul3A_7 = arith.constant 624 : i32
    %mul3A_8 = arith.muli %arg1, %mul3A_7 : i32
    %multiple_of3A = tpu.assume_multiple %mul3A_8, 8 : i32
    %scan3A_9 = arith.constant 0 : i32
    %scan3A_10 = arith.constant 0 : i32
    %scan3A_11 = arith.constant 3 : i32
    %scan3A_12 = arith.addi %scan3A_10, %scan3A_11 : i32
    %scan3A_13 = arith.constant 1 : i32
    scf.for %scan3A_58 = %scan3A_10 to %scan3A_12 step %scan3A_13  : i32 {
      %mul3A_59 = arith.constant 208 : i32
      %mul3A_60 = arith.muli %scan3A_58, %mul3A_59 : i32
      %add3A_61 = arith.addi %multiple_of3A, %mul3A_60 : i32
      %multiple_of3A_62 = tpu.assume_multiple %add3A_61, 8 : i32
      "tpu.region"() ({
        %run_scoped3A_63 = tpu.sem_alloc : memref<!tpu.dma_semaphore, #tpu.memory_space<semaphore_mem>>
        %dma_start3A_64 = arith.constant 0 : i32
        %dma_start3A_65 = tpu.memref_slice %arg15[%multiple_of3A_62, %dma_start3A_64] : memref<10000x80xf32, #tpu.memory_space<vmem_shared>> -> memref<208x80xf32, #tpu.memory_space<vmem_shared>>
        %dma_start3A_66 = arith.constant 0 : i32
        %dma_start3A_67 = tpu.memref_slice %arg15[%multiple_of3A_62, %dma_start3A_66] : memref<10000x80xf32, #tpu.memory_space<vmem_shared>> -> memref<208x80xf32, #tpu.memory_space<vmem_shared>>
        tpu.enqueue_dma source(%arg14 : memref<208x80xf32, #tpu.memory_space<vmem>>) target(%dma_start3A_67 : memref<208x80xf32, #tpu.memory_space<vmem_shared>>) target_semaphore(%run_scoped3A_63 : memref<!tpu.dma_semaphore, #tpu.memory_space<semaphore_mem>>)
        %dma_wait3A_68 = arith.constant 0 : i32
        %dma_wait3A_69 = tpu.memref_slice %arg15[%multiple_of3A_62, %dma_wait3A_68] : memref<10000x80xf32, #tpu.memory_space<vmem_shared>> -> memref<208x80xf32, #tpu.memory_space<vmem_shared>>
        %dma_wait3A_70 = arith.constant 0 : i32
        %dma_wait3A_71 = tpu.memref_slice %arg15[%multiple_of3A_62, %dma_wait3A_70] : memref<10000x80xf32, #tpu.memory_space<vmem_shared>> -> memref<208x80xf32, #tpu.memory_space<vmem_shared>>
        tpu.wait_dma2 semaphore(%run_scoped3A_63 : memref<!tpu.dma_semaphore, #tpu.memory_space<semaphore_mem>>) src(%arg14 : memref<208x80xf32, #tpu.memory_space<vmem>>) dst(%dma_wait3A_71 : memref<208x80xf32, #tpu.memory_space<vmem_shared>>)
        tpu.yield
      }) : () -> ()
    }
    %scan3A_14 = arith.constant 3 : i32
    %eq3A = arith.constant 15 : i32
    %eq3A_15 = arith.cmpi eq, %arg1, %eq3A : i32
    %convert_element_type3A = arith.extui %eq3A_15 : i1 to i32
    %cond3A = arith.constant 0 : i32
    %cond3A_16 = arith.cmpi ne, %convert_element_type3A, %cond3A : i32
    scf.if %cond3A_16 {
      "tpu.region"() ({
        %run_scoped3A_58 = tpu.sem_alloc : memref<!tpu.dma_semaphore, #tpu.memory_space<semaphore_mem>>
        %dma_start3A_59 = arith.constant 0 : i32
        %dma_start3A_60 = arith.constant 0 : i32
        %dma_start3A_61 = tpu.memref_slice %arg14[%dma_start3A_59, %dma_start3A_60] : memref<208x80xf32, #tpu.memory_space<vmem>> -> memref<16x80xf32, #tpu.memory_space<vmem>>
        %dma_start3A_62 = arith.constant 9984 : i32
        %dma_start3A_63 = arith.constant 0 : i32
        %dma_start3A_64 = tpu.memref_slice %arg15[%dma_start3A_62, %dma_start3A_63] : memref<10000x80xf32, #tpu.memory_space<vmem_shared>> -> memref<16x80xf32, #tpu.memory_space<vmem_shared>>
        %dma_start3A_65 = arith.constant 9984 : i32
        %dma_start3A_66 = arith.constant 0 : i32
        %dma_start3A_67 = tpu.memref_slice %arg15[%dma_start3A_65, %dma_start3A_66] : memref<10000x80xf32, #tpu.memory_space<vmem_shared>> -> memref<16x80xf32, #tpu.memory_space<vmem_shared>>
        %dma_start3A_68 = arith.constant 0 : i32
        %dma_start3A_69 = arith.constant 0 : i32
        %dma_start3A_70 = tpu.memref_slice %arg14[%dma_start3A_68, %dma_start3A_69] : memref<208x80xf32, #tpu.memory_space<vmem>> -> memref<16x80xf32, #tpu.memory_space<vmem>>
        tpu.enqueue_dma source(%dma_start3A_70 : memref<16x80xf32, #tpu.memory_space<vmem>>) target(%dma_start3A_67 : memref<16x80xf32, #tpu.memory_space<vmem_shared>>) target_semaphore(%run_scoped3A_58 : memref<!tpu.dma_semaphore, #tpu.memory_space<semaphore_mem>>)
        %dma_wait3A_71 = arith.constant 0 : i32
        %dma_wait3A_72 = arith.constant 0 : i32
        %dma_wait3A_73 = tpu.memref_slice %arg14[%dma_wait3A_71, %dma_wait3A_72] : memref<208x80xf32, #tpu.memory_space<vmem>> -> memref<16x80xf32, #tpu.memory_space<vmem>>
        %dma_wait3A_74 = arith.constant 9984 : i32
        %dma_wait3A_75 = arith.constant 0 : i32
        %dma_wait3A_76 = tpu.memref_slice %arg15[%dma_wait3A_74, %dma_wait3A_75] : memref<10000x80xf32, #tpu.memory_space<vmem_shared>> -> memref<16x80xf32, #tpu.memory_space<vmem_shared>>
        %dma_wait3A_77 = arith.constant 9984 : i32
        %dma_wait3A_78 = arith.constant 0 : i32
        %dma_wait3A_79 = tpu.memref_slice %arg15[%dma_wait3A_77, %dma_wait3A_78] : memref<10000x80xf32, #tpu.memory_space<vmem_shared>> -> memref<16x80xf32, #tpu.memory_space<vmem_shared>>
        %dma_wait3A_80 = arith.constant 0 : i32
        %dma_wait3A_81 = arith.constant 0 : i32
        %dma_wait3A_82 = tpu.memref_slice %arg14[%dma_wait3A_80, %dma_wait3A_81] : memref<208x80xf32, #tpu.memory_space<vmem>> -> memref<16x80xf32, #tpu.memory_space<vmem>>
        tpu.wait_dma2 semaphore(%run_scoped3A_58 : memref<!tpu.dma_semaphore, #tpu.memory_space<semaphore_mem>>) src(%dma_wait3A_82 : memref<16x80xf32, #tpu.memory_space<vmem>>) dst(%dma_wait3A_79 : memref<16x80xf32, #tpu.memory_space<vmem_shared>>)
        tpu.yield
      }) : () -> ()
    } else {
    }
    %barrier3A = arith.constant 0 : index
    tpu.barrier barrier_id(%barrier3A)
    %mul3A_17 = arith.constant 10000 : i32
    %mul3A_18 = arith.muli %add3A, %mul3A_17 : i32
    %scan3A_19 = arith.constant 0 : i32
    %scan3A_20 = arith.constant 0 : i32
    %scan3A_21 = arith.constant 24 : i32
    %scan3A_22 = arith.addi %scan3A_20, %scan3A_21 : i32
    %scan3A_23 = arith.constant 1 : i32
    scf.for %scan3A_58 = %scan3A_20 to %scan3A_22 step %scan3A_23  : i32 {
      %mul3A_59 = arith.constant 416 : i32
      %mul3A_60 = arith.muli %scan3A_58, %mul3A_59 : i32
      %add3A_61 = arith.addi %mul3A_18, %mul3A_60 : i32
      %add3A_62 = arith.constant 0 : i32
      %add3A_63 = arith.addi %add3A_61, %add3A_62 : i32
      %multiple_of3A_64 = tpu.assume_multiple %add3A_63, 8 : i32
      %dma_start3A_65 = arith.constant 0 : i32
      %dma_start3A_66 = tpu.memref_slice %arg3[%dma_start3A_65, %multiple_of3A_64] : memref<2x320000xi32, #tpu.memory_space<hbm>> -> memref<2x104xi32, #tpu.memory_space<hbm>>
      %dma_start3A_67 = arith.constant 0 : i32
      %dma_start3A_68 = tpu.memref_slice %arg3[%dma_start3A_67, %multiple_of3A_64] : memref<2x320000xi32, #tpu.memory_space<hbm>> -> memref<2x104xi32, #tpu.memory_space<hbm>>
      tpu.enqueue_dma source(%dma_start3A_68 : memref<2x104xi32, #tpu.memory_space<hbm>>) target(%arg5 : memref<2x104xi32, #tpu.memory_space<vmem>>) target_semaphore(%arg16 : memref<!tpu.dma_semaphore, #tpu.memory_space<semaphore_mem>>)
      %add3A_69 = arith.constant 104 : i32
      %add3A_70 = arith.addi %add3A_61, %add3A_69 : i32
      %multiple_of3A_71 = tpu.assume_multiple %add3A_70, 8 : i32
      %dma_start3A_72 = arith.constant 0 : i32
      %dma_start3A_73 = tpu.memref_slice %arg3[%dma_start3A_72, %multiple_of3A_71] : memref<2x320000xi32, #tpu.memory_space<hbm>> -> memref<2x104xi32, #tpu.memory_space<hbm>>
      %dma_start3A_74 = arith.constant 0 : i32
      %dma_start3A_75 = tpu.memref_slice %arg3[%dma_start3A_74, %multiple_of3A_71] : memref<2x320000xi32, #tpu.memory_space<hbm>> -> memref<2x104xi32, #tpu.memory_space<hbm>>
      tpu.enqueue_dma source(%dma_start3A_75 : memref<2x104xi32, #tpu.memory_space<hbm>>) target(%arg6 : memref<2x104xi32, #tpu.memory_space<vmem>>) target_semaphore(%arg17 : memref<!tpu.dma_semaphore, #tpu.memory_space<semaphore_mem>>)
      %add3A_76 = arith.constant 208 : i32
      %add3A_77 = arith.addi %add3A_61, %add3A_76 : i32
      %multiple_of3A_78 = tpu.assume_multiple %add3A_77, 8 : i32
      %dma_start3A_79 = arith.constant 0 : i32
      %dma_start3A_80 = tpu.memref_slice %arg3[%dma_start3A_79, %multiple_of3A_78] : memref<2x320000xi32, #tpu.memory_space<hbm>> -> memref<2x104xi32, #tpu.memory_space<hbm>>
      %dma_start3A_81 = arith.constant 0 : i32
      %dma_start3A_82 = tpu.memref_slice %arg3[%dma_start3A_81, %multiple_of3A_78] : memref<2x320000xi32, #tpu.memory_space<hbm>> -> memref<2x104xi32, #tpu.memory_space<hbm>>
      tpu.enqueue_dma source(%dma_start3A_82 : memref<2x104xi32, #tpu.memory_space<hbm>>) target(%arg7 : memref<2x104xi32, #tpu.memory_space<vmem>>) target_semaphore(%arg18 : memref<!tpu.dma_semaphore, #tpu.memory_space<semaphore_mem>>)
      %add3A_83 = arith.constant 312 : i32
      %add3A_84 = arith.addi %add3A_61, %add3A_83 : i32
      %multiple_of3A_85 = tpu.assume_multiple %add3A_84, 8 : i32
      %dma_start3A_86 = arith.constant 0 : i32
      %dma_start3A_87 = tpu.memref_slice %arg3[%dma_start3A_86, %multiple_of3A_85] : memref<2x320000xi32, #tpu.memory_space<hbm>> -> memref<2x104xi32, #tpu.memory_space<hbm>>
      %dma_start3A_88 = arith.constant 0 : i32
      %dma_start3A_89 = tpu.memref_slice %arg3[%dma_start3A_88, %multiple_of3A_85] : memref<2x320000xi32, #tpu.memory_space<hbm>> -> memref<2x104xi32, #tpu.memory_space<hbm>>
      tpu.enqueue_dma source(%dma_start3A_89 : memref<2x104xi32, #tpu.memory_space<hbm>>) target(%arg8 : memref<2x104xi32, #tpu.memory_space<vmem>>) target_semaphore(%arg19 : memref<!tpu.dma_semaphore, #tpu.memory_space<semaphore_mem>>)
      %dma_wait3A_90 = arith.constant 0 : i32
      %dma_wait3A_91 = tpu.memref_slice %arg3[%dma_wait3A_90, %multiple_of3A_64] : memref<2x320000xi32, #tpu.memory_space<hbm>> -> memref<2x104xi32, #tpu.memory_space<hbm>>
      %dma_wait3A_92 = arith.constant 0 : i32
      %dma_wait3A_93 = tpu.memref_slice %arg3[%dma_wait3A_92, %multiple_of3A_64] : memref<2x320000xi32, #tpu.memory_space<hbm>> -> memref<2x104xi32, #tpu.memory_space<hbm>>
      tpu.wait_dma2 semaphore(%arg16 : memref<!tpu.dma_semaphore, #tpu.memory_space<semaphore_mem>>) src(%dma_wait3A_93 : memref<2x104xi32, #tpu.memory_space<hbm>>) dst(%arg5 : memref<2x104xi32, #tpu.memory_space<vmem>>)
      %dma_start3A_94 = arith.constant 0 : i32
      %dma_start3A_95 = arith.constant 0 : i32
      %dma_start3A_96 = tpu.memref_slice %arg5[%dma_start3A_94, %dma_start3A_95] : memref<2x104xi32, #tpu.memory_space<vmem>> -> memref<1x104xi32, #tpu.memory_space<vmem>>
      %dma_start3A_97 = tpu.memref_squeeze %dma_start3A_96 : memref<1x104xi32, #tpu.memory_space<vmem>> -> memref<104xi32, #tpu.memory_space<vmem>>
      %dma_start3A_98 = arith.constant 0 : i32
      %dma_start3A_99 = arith.constant 0 : i32
      %dma_start3A_100 = tpu.memref_slice %arg2[%dma_start3A_98, %dma_start3A_99] : memref<10000x80xf32, #tpu.memory_space<hbm>> -> memref<10000x80xf32, #tpu.memory_space<hbm>>
      tpu.enqueue_indirect_dma source(%dma_start3A_100 : memref<10000x80xf32, #tpu.memory_space<hbm>>) target(%arg9 : memref<104x80xf32, #tpu.memory_space<vmem>>) offsets(%dma_start3A_97 : memref<104xi32, #tpu.memory_space<vmem>>) semaphore(%arg20 : memref<!tpu.dma_semaphore, #tpu.memory_space<semaphore_mem>>)
      %dma_wait3A_101 = arith.constant 0 : i32
      %dma_wait3A_102 = tpu.memref_slice %arg3[%dma_wait3A_101, %multiple_of3A_71] : memref<2x320000xi32, #tpu.memory_space<hbm>> -> memref<2x104xi32, #tpu.memory_space<hbm>>
      %dma_wait3A_103 = arith.constant 0 : i32
      %dma_wait3A_104 = tpu.memref_slice %arg3[%dma_wait3A_103, %multiple_of3A_71] : memref<2x320000xi32, #tpu.memory_space<hbm>> -> memref<2x104xi32, #tpu.memory_space<hbm>>
      tpu.wait_dma2 semaphore(%arg17 : memref<!tpu.dma_semaphore, #tpu.memory_space<semaphore_mem>>) src(%dma_wait3A_104 : memref<2x104xi32, #tpu.memory_space<hbm>>) dst(%arg6 : memref<2x104xi32, #tpu.memory_space<vmem>>)
      %dma_start3A_105 = arith.constant 0 : i32
      %dma_start3A_106 = arith.constant 0 : i32
      %dma_start3A_107 = tpu.memref_slice %arg6[%dma_start3A_105, %dma_start3A_106] : memref<2x104xi32, #tpu.memory_space<vmem>> -> memref<1x104xi32, #tpu.memory_space<vmem>>
      %dma_start3A_108 = tpu.memref_squeeze %dma_start3A_107 : memref<1x104xi32, #tpu.memory_space<vmem>> -> memref<104xi32, #tpu.memory_space<vmem>>
      %dma_start3A_109 = arith.constant 0 : i32
      %dma_start3A_110 = arith.constant 0 : i32
      %dma_start3A_111 = tpu.memref_slice %arg2[%dma_start3A_109, %dma_start3A_110] : memref<10000x80xf32, #tpu.memory_space<hbm>> -> memref<10000x80xf32, #tpu.memory_space<hbm>>
      tpu.enqueue_indirect_dma source(%dma_start3A_111 : memref<10000x80xf32, #tpu.memory_space<hbm>>) target(%arg10 : memref<104x80xf32, #tpu.memory_space<vmem>>) offsets(%dma_start3A_108 : memref<104xi32, #tpu.memory_space<vmem>>) semaphore(%arg21 : memref<!tpu.dma_semaphore, #tpu.memory_space<semaphore_mem>>)
      %dma_wait3A_112 = arith.constant 0 : i32
      %dma_wait3A_113 = tpu.memref_slice %arg3[%dma_wait3A_112, %multiple_of3A_78] : memref<2x320000xi32, #tpu.memory_space<hbm>> -> memref<2x104xi32, #tpu.memory_space<hbm>>
      %dma_wait3A_114 = arith.constant 0 : i32
      %dma_wait3A_115 = tpu.memref_slice %arg3[%dma_wait3A_114, %multiple_of3A_78] : memref<2x320000xi32, #tpu.memory_space<hbm>> -> memref<2x104xi32, #tpu.memory_space<hbm>>
      tpu.wait_dma2 semaphore(%arg18 : memref<!tpu.dma_semaphore, #tpu.memory_space<semaphore_mem>>) src(%dma_wait3A_115 : memref<2x104xi32, #tpu.memory_space<hbm>>) dst(%arg7 : memref<2x104xi32, #tpu.memory_space<vmem>>)
      %dma_start3A_116 = arith.constant 0 : i32
      %dma_start3A_117 = arith.constant 0 : i32
      %dma_start3A_118 = tpu.memref_slice %arg7[%dma_start3A_116, %dma_start3A_117] : memref<2x104xi32, #tpu.memory_space<vmem>> -> memref<1x104xi32, #tpu.memory_space<vmem>>
      %dma_start3A_119 = tpu.memref_squeeze %dma_start3A_118 : memref<1x104xi32, #tpu.memory_space<vmem>> -> memref<104xi32, #tpu.memory_space<vmem>>
      %dma_start3A_120 = arith.constant 0 : i32
      %dma_start3A_121 = arith.constant 0 : i32
      %dma_start3A_122 = tpu.memref_slice %arg2[%dma_start3A_120, %dma_start3A_121] : memref<10000x80xf32, #tpu.memory_space<hbm>> -> memref<10000x80xf32, #tpu.memory_space<hbm>>
      tpu.enqueue_indirect_dma source(%dma_start3A_122 : memref<10000x80xf32, #tpu.memory_space<hbm>>) target(%arg11 : memref<104x80xf32, #tpu.memory_space<vmem>>) offsets(%dma_start3A_119 : memref<104xi32, #tpu.memory_space<vmem>>) semaphore(%arg22 : memref<!tpu.dma_semaphore, #tpu.memory_space<semaphore_mem>>)
      %dma_wait3A_123 = arith.constant 0 : i32
      %dma_wait3A_124 = tpu.memref_slice %arg3[%dma_wait3A_123, %multiple_of3A_85] : memref<2x320000xi32, #tpu.memory_space<hbm>> -> memref<2x104xi32, #tpu.memory_space<hbm>>
      %dma_wait3A_125 = arith.constant 0 : i32
      %dma_wait3A_126 = tpu.memref_slice %arg3[%dma_wait3A_125, %multiple_of3A_85] : memref<2x320000xi32, #tpu.memory_space<hbm>> -> memref<2x104xi32, #tpu.memory_space<hbm>>
      tpu.wait_dma2 semaphore(%arg19 : memref<!tpu.dma_semaphore, #tpu.memory_space<semaphore_mem>>) src(%dma_wait3A_126 : memref<2x104xi32, #tpu.memory_space<hbm>>) dst(%arg8 : memref<2x104xi32, #tpu.memory_space<vmem>>)
      %dma_start3A_127 = arith.constant 0 : i32
      %dma_start3A_128 = arith.constant 0 : i32
      %dma_start3A_129 = tpu.memref_slice %arg8[%dma_start3A_127, %dma_start3A_128] : memref<2x104xi32, #tpu.memory_space<vmem>> -> memref<1x104xi32, #tpu.memory_space<vmem>>
      %dma_start3A_130 = tpu.memref_squeeze %dma_start3A_129 : memref<1x104xi32, #tpu.memory_space<vmem>> -> memref<104xi32, #tpu.memory_space<vmem>>
      %dma_start3A_131 = arith.constant 0 : i32
      %dma_start3A_132 = arith.constant 0 : i32
      %dma_start3A_133 = tpu.memref_slice %arg2[%dma_start3A_131, %dma_start3A_132] : memref<10000x80xf32, #tpu.memory_space<hbm>> -> memref<10000x80xf32, #tpu.memory_space<hbm>>
      tpu.enqueue_indirect_dma source(%dma_start3A_133 : memref<10000x80xf32, #tpu.memory_space<hbm>>) target(%arg12 : memref<104x80xf32, #tpu.memory_space<vmem>>) offsets(%dma_start3A_130 : memref<104xi32, #tpu.memory_space<vmem>>) semaphore(%arg23 : memref<!tpu.dma_semaphore, #tpu.memory_space<semaphore_mem>>)
      %dma_wait3A_134 = arith.constant 0 : i32
      %dma_wait3A_135 = arith.constant 0 : i32
      %dma_wait3A_136 = tpu.memref_slice %arg5[%dma_wait3A_134, %dma_wait3A_135] : memref<2x104xi32, #tpu.memory_space<vmem>> -> memref<1x104xi32, #tpu.memory_space<vmem>>
      %dma_wait3A_137 = tpu.memref_squeeze %dma_wait3A_136 : memref<1x104xi32, #tpu.memory_space<vmem>> -> memref<104xi32, #tpu.memory_space<vmem>>
      %dma_wait3A_138 = arith.constant 0 : i32
      %dma_wait3A_139 = arith.constant 0 : i32
      %dma_wait3A_140 = tpu.memref_slice %arg2[%dma_wait3A_138, %dma_wait3A_139] : memref<10000x80xf32, #tpu.memory_space<hbm>> -> memref<10000x80xf32, #tpu.memory_space<hbm>>
      tpu.wait_indirect_dma semaphore(%arg20 : memref<!tpu.dma_semaphore, #tpu.memory_space<semaphore_mem>>) src(%dma_wait3A_140 : memref<10000x80xf32, #tpu.memory_space<hbm>>) dst(%arg9 : memref<104x80xf32, #tpu.memory_space<vmem>>)
      %dma_start3A_141 = arith.constant 1 : i32
      %dma_start3A_142 = arith.constant 0 : i32
      %dma_start3A_143 = tpu.memref_slice %arg5[%dma_start3A_141, %dma_start3A_142] : memref<2x104xi32, #tpu.memory_space<vmem>> -> memref<1x104xi32, #tpu.memory_space<vmem>>
      %dma_start3A_144 = tpu.memref_squeeze %dma_start3A_143 : memref<1x104xi32, #tpu.memory_space<vmem>> -> memref<104xi32, #tpu.memory_space<vmem>>
      %dma_start3A_145 = arith.constant 0 : i32
      %dma_start3A_146 = arith.constant 0 : i32
      %dma_start3A_147 = tpu.memref_slice %arg15[%dma_start3A_145, %dma_start3A_146] : memref<10000x80xf32, #tpu.memory_space<vmem_shared>> -> memref<10000x80xf32, #tpu.memory_space<vmem_shared>>
      tpu.enqueue_indirect_dma source(%arg9 : memref<104x80xf32, #tpu.memory_space<vmem>>) target(%dma_start3A_147 : memref<10000x80xf32, #tpu.memory_space<vmem_shared>>) offsets(%dma_start3A_144 : memref<104xi32, #tpu.memory_space<vmem>>) semaphore(%arg24 : memref<!tpu.dma_semaphore, #tpu.memory_space<semaphore_mem>>) {add = true}
      %dma_wait3A_148 = arith.constant 0 : i32
      %dma_wait3A_149 = arith.constant 0 : i32
      %dma_wait3A_150 = tpu.memref_slice %arg6[%dma_wait3A_148, %dma_wait3A_149] : memref<2x104xi32, #tpu.memory_space<vmem>> -> memref<1x104xi32, #tpu.memory_space<vmem>>
      %dma_wait3A_151 = tpu.memref_squeeze %dma_wait3A_150 : memref<1x104xi32, #tpu.memory_space<vmem>> -> memref<104xi32, #tpu.memory_space<vmem>>
      %dma_wait3A_152 = arith.constant 0 : i32
      %dma_wait3A_153 = arith.constant 0 : i32
      %dma_wait3A_154 = tpu.memref_slice %arg2[%dma_wait3A_152, %dma_wait3A_153] : memref<10000x80xf32, #tpu.memory_space<hbm>> -> memref<10000x80xf32, #tpu.memory_space<hbm>>
      tpu.wait_indirect_dma semaphore(%arg21 : memref<!tpu.dma_semaphore, #tpu.memory_space<semaphore_mem>>) src(%dma_wait3A_154 : memref<10000x80xf32, #tpu.memory_space<hbm>>) dst(%arg10 : memref<104x80xf32, #tpu.memory_space<vmem>>)
      %dma_start3A_155 = arith.constant 1 : i32
      %dma_start3A_156 = arith.constant 0 : i32
      %dma_start3A_157 = tpu.memref_slice %arg6[%dma_start3A_155, %dma_start3A_156] : memref<2x104xi32, #tpu.memory_space<vmem>> -> memref<1x104xi32, #tpu.memory_space<vmem>>
      %dma_start3A_158 = tpu.memref_squeeze %dma_start3A_157 : memref<1x104xi32, #tpu.memory_space<vmem>> -> memref<104xi32, #tpu.memory_space<vmem>>
      %dma_start3A_159 = arith.constant 0 : i32
      %dma_start3A_160 = arith.constant 0 : i32
      %dma_start3A_161 = tpu.memref_slice %arg15[%dma_start3A_159, %dma_start3A_160] : memref<10000x80xf32, #tpu.memory_space<vmem_shared>> -> memref<10000x80xf32, #tpu.memory_space<vmem_shared>>
      tpu.enqueue_indirect_dma source(%arg10 : memref<104x80xf32, #tpu.memory_space<vmem>>) target(%dma_start3A_161 : memref<10000x80xf32, #tpu.memory_space<vmem_shared>>) offsets(%dma_start3A_158 : memref<104xi32, #tpu.memory_space<vmem>>) semaphore(%arg25 : memref<!tpu.dma_semaphore, #tpu.memory_space<semaphore_mem>>) {add = true}
      %dma_wait3A_162 = arith.constant 0 : i32
      %dma_wait3A_163 = arith.constant 0 : i32
      %dma_wait3A_164 = tpu.memref_slice %arg7[%dma_wait3A_162, %dma_wait3A_163] : memref<2x104xi32, #tpu.memory_space<vmem>> -> memref<1x104xi32, #tpu.memory_space<vmem>>
      %dma_wait3A_165 = tpu.memref_squeeze %dma_wait3A_164 : memref<1x104xi32, #tpu.memory_space<vmem>> -> memref<104xi32, #tpu.memory_space<vmem>>
      %dma_wait3A_166 = arith.constant 0 : i32
      %dma_wait3A_167 = arith.constant 0 : i32
      %dma_wait3A_168 = tpu.memref_slice %arg2[%dma_wait3A_166, %dma_wait3A_167] : memref<10000x80xf32, #tpu.memory_space<hbm>> -> memref<10000x80xf32, #tpu.memory_space<hbm>>
      tpu.wait_indirect_dma semaphore(%arg22 : memref<!tpu.dma_semaphore, #tpu.memory_space<semaphore_mem>>) src(%dma_wait3A_168 : memref<10000x80xf32, #tpu.memory_space<hbm>>) dst(%arg11 : memref<104x80xf32, #tpu.memory_space<vmem>>)
      %dma_start3A_169 = arith.constant 1 : i32
      %dma_start3A_170 = arith.constant 0 : i32
      %dma_start3A_171 = tpu.memref_slice %arg7[%dma_start3A_169, %dma_start3A_170] : memref<2x104xi32, #tpu.memory_space<vmem>> -> memref<1x104xi32, #tpu.memory_space<vmem>>
      %dma_start3A_172 = tpu.memref_squeeze %dma_start3A_171 : memref<1x104xi32, #tpu.memory_space<vmem>> -> memref<104xi32, #tpu.memory_space<vmem>>
      %dma_start3A_173 = arith.constant 0 : i32
      %dma_start3A_174 = arith.constant 0 : i32
      %dma_start3A_175 = tpu.memref_slice %arg15[%dma_start3A_173, %dma_start3A_174] : memref<10000x80xf32, #tpu.memory_space<vmem_shared>> -> memref<10000x80xf32, #tpu.memory_space<vmem_shared>>
      tpu.enqueue_indirect_dma source(%arg11 : memref<104x80xf32, #tpu.memory_space<vmem>>) target(%dma_start3A_175 : memref<10000x80xf32, #tpu.memory_space<vmem_shared>>) offsets(%dma_start3A_172 : memref<104xi32, #tpu.memory_space<vmem>>) semaphore(%arg26 : memref<!tpu.dma_semaphore, #tpu.memory_space<semaphore_mem>>) {add = true}
      %dma_wait3A_176 = arith.constant 0 : i32
      %dma_wait3A_177 = arith.constant 0 : i32
      %dma_wait3A_178 = tpu.memref_slice %arg8[%dma_wait3A_176, %dma_wait3A_177] : memref<2x104xi32, #tpu.memory_space<vmem>> -> memref<1x104xi32, #tpu.memory_space<vmem>>
      %dma_wait3A_179 = tpu.memref_squeeze %dma_wait3A_178 : memref<1x104xi32, #tpu.memory_space<vmem>> -> memref<104xi32, #tpu.memory_space<vmem>>
      %dma_wait3A_180 = arith.constant 0 : i32
      %dma_wait3A_181 = arith.constant 0 : i32
      %dma_wait3A_182 = tpu.memref_slice %arg2[%dma_wait3A_180, %dma_wait3A_181] : memref<10000x80xf32, #tpu.memory_space<hbm>> -> memref<10000x80xf32, #tpu.memory_space<hbm>>
      tpu.wait_indirect_dma semaphore(%arg23 : memref<!tpu.dma_semaphore, #tpu.memory_space<semaphore_mem>>) src(%dma_wait3A_182 : memref<10000x80xf32, #tpu.memory_space<hbm>>) dst(%arg12 : memref<104x80xf32, #tpu.memory_space<vmem>>)
      %dma_start3A_183 = arith.constant 1 : i32
      %dma_start3A_184 = arith.constant 0 : i32
      %dma_start3A_185 = tpu.memref_slice %arg8[%dma_start3A_183, %dma_start3A_184] : memref<2x104xi32, #tpu.memory_space<vmem>> -> memref<1x104xi32, #tpu.memory_space<vmem>>
      %dma_start3A_186 = tpu.memref_squeeze %dma_start3A_185 : memref<1x104xi32, #tpu.memory_space<vmem>> -> memref<104xi32, #tpu.memory_space<vmem>>
      %dma_start3A_187 = arith.constant 0 : i32
      %dma_start3A_188 = arith.constant 0 : i32
      %dma_start3A_189 = tpu.memref_slice %arg15[%dma_start3A_187, %dma_start3A_188] : memref<10000x80xf32, #tpu.memory_space<vmem_shared>> -> memref<10000x80xf32, #tpu.memory_space<vmem_shared>>
      tpu.enqueue_indirect_dma source(%arg12 : memref<104x80xf32, #tpu.memory_space<vmem>>) target(%dma_start3A_189 : memref<10000x80xf32, #tpu.memory_space<vmem_shared>>) offsets(%dma_start3A_186 : memref<104xi32, #tpu.memory_space<vmem>>) semaphore(%arg27 : memref<!tpu.dma_semaphore, #tpu.memory_space<semaphore_mem>>) {add = true}
      %dma_wait3A_190 = arith.constant 1 : i32
      %dma_wait3A_191 = arith.constant 0 : i32
      %dma_wait3A_192 = tpu.memref_slice %arg5[%dma_wait3A_190, %dma_wait3A_191] : memref<2x104xi32, #tpu.memory_space<vmem>> -> memref<1x104xi32, #tpu.memory_space<vmem>>
      %dma_wait3A_193 = tpu.memref_squeeze %dma_wait3A_192 : memref<1x104xi32, #tpu.memory_space<vmem>> -> memref<104xi32, #tpu.memory_space<vmem>>
      %dma_wait3A_194 = arith.constant 0 : i32
      %dma_wait3A_195 = arith.constant 0 : i32
      %dma_wait3A_196 = tpu.memref_slice %arg15[%dma_wait3A_194, %dma_wait3A_195] : memref<10000x80xf32, #tpu.memory_space<vmem_shared>> -> memref<10000x80xf32, #tpu.memory_space<vmem_shared>>
      tpu.wait_indirect_dma semaphore(%arg24 : memref<!tpu.dma_semaphore, #tpu.memory_space<semaphore_mem>>) src(%arg9 : memref<104x80xf32, #tpu.memory_space<vmem>>) dst(%dma_wait3A_196 : memref<10000x80xf32, #tpu.memory_space<vmem_shared>>)
      %dma_wait3A_197 = arith.constant 1 : i32
      %dma_wait3A_198 = arith.constant 0 : i32
      %dma_wait3A_199 = tpu.memref_slice %arg6[%dma_wait3A_197, %dma_wait3A_198] : memref<2x104xi32, #tpu.memory_space<vmem>> -> memref<1x104xi32, #tpu.memory_space<vmem>>
      %dma_wait3A_200 = tpu.memref_squeeze %dma_wait3A_199 : memref<1x104xi32, #tpu.memory_space<vmem>> -> memref<104xi32, #tpu.memory_space<vmem>>
      %dma_wait3A_201 = arith.constant 0 : i32
      %dma_wait3A_202 = arith.constant 0 : i32
      %dma_wait3A_203 = tpu.memref_slice %arg15[%dma_wait3A_201, %dma_wait3A_202] : memref<10000x80xf32, #tpu.memory_space<vmem_shared>> -> memref<10000x80xf32, #tpu.memory_space<vmem_shared>>
      tpu.wait_indirect_dma semaphore(%arg25 : memref<!tpu.dma_semaphore, #tpu.memory_space<semaphore_mem>>) src(%arg10 : memref<104x80xf32, #tpu.memory_space<vmem>>) dst(%dma_wait3A_203 : memref<10000x80xf32, #tpu.memory_space<vmem_shared>>)
      %dma_wait3A_204 = arith.constant 1 : i32
      %dma_wait3A_205 = arith.constant 0 : i32
      %dma_wait3A_206 = tpu.memref_slice %arg7[%dma_wait3A_204, %dma_wait3A_205] : memref<2x104xi32, #tpu.memory_space<vmem>> -> memref<1x104xi32, #tpu.memory_space<vmem>>
      %dma_wait3A_207 = tpu.memref_squeeze %dma_wait3A_206 : memref<1x104xi32, #tpu.memory_space<vmem>> -> memref<104xi32, #tpu.memory_space<vmem>>
      %dma_wait3A_208 = arith.constant 0 : i32
      %dma_wait3A_209 = arith.constant 0 : i32
      %dma_wait3A_210 = tpu.memref_slice %arg15[%dma_wait3A_208, %dma_wait3A_209] : memref<10000x80xf32, #tpu.memory_space<vmem_shared>> -> memref<10000x80xf32, #tpu.memory_space<vmem_shared>>
      tpu.wait_indirect_dma semaphore(%arg26 : memref<!tpu.dma_semaphore, #tpu.memory_space<semaphore_mem>>) src(%arg11 : memref<104x80xf32, #tpu.memory_space<vmem>>) dst(%dma_wait3A_210 : memref<10000x80xf32, #tpu.memory_space<vmem_shared>>)
      %dma_wait3A_211 = arith.constant 1 : i32
      %dma_wait3A_212 = arith.constant 0 : i32
      %dma_wait3A_213 = tpu.memref_slice %arg8[%dma_wait3A_211, %dma_wait3A_212] : memref<2x104xi32, #tpu.memory_space<vmem>> -> memref<1x104xi32, #tpu.memory_space<vmem>>
      %dma_wait3A_214 = tpu.memref_squeeze %dma_wait3A_213 : memref<1x104xi32, #tpu.memory_space<vmem>> -> memref<104xi32, #tpu.memory_space<vmem>>
      %dma_wait3A_215 = arith.constant 0 : i32
      %dma_wait3A_216 = arith.constant 0 : i32
      %dma_wait3A_217 = tpu.memref_slice %arg15[%dma_wait3A_215, %dma_wait3A_216] : memref<10000x80xf32, #tpu.memory_space<vmem_shared>> -> memref<10000x80xf32, #tpu.memory_space<vmem_shared>>
      tpu.wait_indirect_dma semaphore(%arg27 : memref<!tpu.dma_semaphore, #tpu.memory_space<semaphore_mem>>) src(%arg12 : memref<104x80xf32, #tpu.memory_space<vmem>>) dst(%dma_wait3A_217 : memref<10000x80xf32, #tpu.memory_space<vmem_shared>>)
    }
    %scan3A_24 = arith.constant 24 : i32
    %add3A_25 = arith.constant 9984 : i32
    %add3A_26 = arith.addi %mul3A_18, %add3A_25 : i32
    %multiple_of3A_27 = tpu.assume_multiple %add3A_26, 8 : i32
    "tpu.region"() ({
      %run_scoped3A_58 = tpu.sem_alloc : memref<!tpu.dma_semaphore, #tpu.memory_space<semaphore_mem>>
      %dma_start3A_59 = arith.constant 0 : i32
      %dma_start3A_60 = tpu.memref_slice %arg3[%dma_start3A_59, %multiple_of3A_27] : memref<2x320000xi32, #tpu.memory_space<hbm>> -> memref<2x16xi32, #tpu.memory_space<hbm>>
      %dma_start3A_61 = arith.constant 0 : i32
      %dma_start3A_62 = tpu.memref_slice %arg3[%dma_start3A_61, %multiple_of3A_27] : memref<2x320000xi32, #tpu.memory_space<hbm>> -> memref<2x16xi32, #tpu.memory_space<hbm>>
      tpu.enqueue_dma source(%dma_start3A_62 : memref<2x16xi32, #tpu.memory_space<hbm>>) target(%arg13 : memref<2x16xi32, #tpu.memory_space<vmem>>) target_semaphore(%run_scoped3A_58 : memref<!tpu.dma_semaphore, #tpu.memory_space<semaphore_mem>>)
      %dma_wait3A_63 = arith.constant 0 : i32
      %dma_wait3A_64 = tpu.memref_slice %arg3[%dma_wait3A_63, %multiple_of3A_27] : memref<2x320000xi32, #tpu.memory_space<hbm>> -> memref<2x16xi32, #tpu.memory_space<hbm>>
      %dma_wait3A_65 = arith.constant 0 : i32
      %dma_wait3A_66 = tpu.memref_slice %arg3[%dma_wait3A_65, %multiple_of3A_27] : memref<2x320000xi32, #tpu.memory_space<hbm>> -> memref<2x16xi32, #tpu.memory_space<hbm>>
      tpu.wait_dma2 semaphore(%run_scoped3A_58 : memref<!tpu.dma_semaphore, #tpu.memory_space<semaphore_mem>>) src(%dma_wait3A_66 : memref<2x16xi32, #tpu.memory_space<hbm>>) dst(%arg13 : memref<2x16xi32, #tpu.memory_space<vmem>>)
      tpu.yield
    }) : () -> ()
    %dma_start3A = arith.constant 0 : i32
    %dma_start3A_28 = arith.constant 0 : i32
    %dma_start3A_29 = arith.constant 0 : i32
    %dma_start3A_30 = tpu.memref_slice %arg9[%dma_start3A_28, %dma_start3A_29] : memref<104x80xf32, #tpu.memory_space<vmem>> -> memref<16x80xf32, #tpu.memory_space<vmem>>
    %dma_start3A_31 = arith.constant 0 : i32
    %dma_start3A_32 = tpu.memref_slice %arg13[%dma_start3A, %dma_start3A_31] : memref<2x16xi32, #tpu.memory_space<vmem>> -> memref<1x16xi32, #tpu.memory_space<vmem>>
    %dma_start3A_33 = tpu.memref_squeeze %dma_start3A_32 : memref<1x16xi32, #tpu.memory_space<vmem>> -> memref<16xi32, #tpu.memory_space<vmem>>
    %dma_start3A_34 = arith.constant 0 : i32
    %dma_start3A_35 = arith.constant 0 : i32
    %dma_start3A_36 = tpu.memref_slice %arg2[%dma_start3A_34, %dma_start3A_35] : memref<10000x80xf32, #tpu.memory_space<hbm>> -> memref<10000x80xf32, #tpu.memory_space<hbm>>
    tpu.enqueue_indirect_dma source(%dma_start3A_36 : memref<10000x80xf32, #tpu.memory_space<hbm>>) target(%dma_start3A_30 : memref<16x80xf32, #tpu.memory_space<vmem>>) offsets(%dma_start3A_33 : memref<16xi32, #tpu.memory_space<vmem>>) semaphore(%arg20 : memref<!tpu.dma_semaphore, #tpu.memory_space<semaphore_mem>>)
    %dma_wait3A = arith.constant 0 : i32
    %dma_wait3A_37 = arith.constant 0 : i32
    %dma_wait3A_38 = arith.constant 0 : i32
    %dma_wait3A_39 = tpu.memref_slice %arg9[%dma_wait3A_37, %dma_wait3A_38] : memref<104x80xf32, #tpu.memory_space<vmem>> -> memref<16x80xf32, #tpu.memory_space<vmem>>
    %dma_wait3A_40 = arith.constant 0 : i32
    %dma_wait3A_41 = tpu.memref_slice %arg13[%dma_wait3A, %dma_wait3A_40] : memref<2x16xi32, #tpu.memory_space<vmem>> -> memref<1x16xi32, #tpu.memory_space<vmem>>
    %dma_wait3A_42 = tpu.memref_squeeze %dma_wait3A_41 : memref<1x16xi32, #tpu.memory_space<vmem>> -> memref<16xi32, #tpu.memory_space<vmem>>
    %dma_wait3A_43 = arith.constant 0 : i32
    %dma_wait3A_44 = arith.constant 0 : i32
    %dma_wait3A_45 = tpu.memref_slice %arg2[%dma_wait3A_43, %dma_wait3A_44] : memref<10000x80xf32, #tpu.memory_space<hbm>> -> memref<10000x80xf32, #tpu.memory_space<hbm>>
    tpu.wait_indirect_dma semaphore(%arg20 : memref<!tpu.dma_semaphore, #tpu.memory_space<semaphore_mem>>) src(%dma_wait3A_45 : memref<10000x80xf32, #tpu.memory_space<hbm>>) dst(%dma_wait3A_39 : memref<16x80xf32, #tpu.memory_space<vmem>>)
    %run_scoped3A = arith.constant 1 : i32
    "tpu.region"() ({
      %run_scoped3A_58 = tpu.sem_alloc : memref<!tpu.dma_semaphore, #tpu.memory_space<semaphore_mem>>
      %dma_start3A_59 = arith.constant 0 : i32
      %dma_start3A_60 = arith.constant 0 : i32
      %dma_start3A_61 = tpu.memref_slice %arg9[%dma_start3A_59, %dma_start3A_60] : memref<104x80xf32, #tpu.memory_space<vmem>> -> memref<16x80xf32, #tpu.memory_space<vmem>>
      %dma_start3A_62 = arith.constant 0 : i32
      %dma_start3A_63 = tpu.memref_slice %arg13[%run_scoped3A, %dma_start3A_62] : memref<2x16xi32, #tpu.memory_space<vmem>> -> memref<1x16xi32, #tpu.memory_space<vmem>>
      %dma_start3A_64 = tpu.memref_squeeze %dma_start3A_63 : memref<1x16xi32, #tpu.memory_space<vmem>> -> memref<16xi32, #tpu.memory_space<vmem>>
      %dma_start3A_65 = arith.constant 0 : i32
      %dma_start3A_66 = arith.constant 0 : i32
      %dma_start3A_67 = tpu.memref_slice %arg15[%dma_start3A_65, %dma_start3A_66] : memref<10000x80xf32, #tpu.memory_space<vmem_shared>> -> memref<10000x80xf32, #tpu.memory_space<vmem_shared>>
      tpu.enqueue_indirect_dma source(%dma_start3A_61 : memref<16x80xf32, #tpu.memory_space<vmem>>) target(%dma_start3A_67 : memref<10000x80xf32, #tpu.memory_space<vmem_shared>>) offsets(%dma_start3A_64 : memref<16xi32, #tpu.memory_space<vmem>>) semaphore(%run_scoped3A_58 : memref<!tpu.dma_semaphore, #tpu.memory_space<semaphore_mem>>) {add = true}
      %dma_wait3A_68 = arith.constant 0 : i32
      %dma_wait3A_69 = arith.constant 0 : i32
      %dma_wait3A_70 = tpu.memref_slice %arg9[%dma_wait3A_68, %dma_wait3A_69] : memref<104x80xf32, #tpu.memory_space<vmem>> -> memref<16x80xf32, #tpu.memory_space<vmem>>
      %dma_wait3A_71 = arith.constant 0 : i32
      %dma_wait3A_72 = tpu.memref_slice %arg13[%run_scoped3A, %dma_wait3A_71] : memref<2x16xi32, #tpu.memory_space<vmem>> -> memref<1x16xi32, #tpu.memory_space<vmem>>
      %dma_wait3A_73 = tpu.memref_squeeze %dma_wait3A_72 : memref<1x16xi32, #tpu.memory_space<vmem>> -> memref<16xi32, #tpu.memory_space<vmem>>
      %dma_wait3A_74 = arith.constant 0 : i32
      %dma_wait3A_75 = arith.constant 0 : i32
      %dma_wait3A_76 = tpu.memref_slice %arg15[%dma_wait3A_74, %dma_wait3A_75] : memref<10000x80xf32, #tpu.memory_space<vmem_shared>> -> memref<10000x80xf32, #tpu.memory_space<vmem_shared>>
      tpu.wait_indirect_dma semaphore(%run_scoped3A_58 : memref<!tpu.dma_semaphore, #tpu.memory_space<semaphore_mem>>) src(%dma_wait3A_70 : memref<16x80xf32, #tpu.memory_space<vmem>>) dst(%dma_wait3A_76 : memref<10000x80xf32, #tpu.memory_space<vmem_shared>>)
      tpu.yield
    }) : () -> ()
    %barrier3A_46 = arith.constant 0 : index
    tpu.barrier barrier_id(%barrier3A_46)
    %scan3A_47 = arith.constant 0 : i32
    %scan3A_48 = arith.constant 0 : i32
    %scan3A_49 = arith.constant 3 : i32
    %scan3A_50 = arith.addi %scan3A_48, %scan3A_49 : i32
    %scan3A_51 = arith.constant 1 : i32
    scf.for %scan3A_58 = %scan3A_48 to %scan3A_50 step %scan3A_51  : i32 {
      %mul3A_59 = arith.constant 208 : i32
      %mul3A_60 = arith.muli %scan3A_58, %mul3A_59 : i32
      %add3A_61 = arith.addi %multiple_of3A, %mul3A_60 : i32
      %multiple_of3A_62 = tpu.assume_multiple %add3A_61, 8 : i32
      "tpu.region"() ({
        %run_scoped3A_63 = tpu.sem_alloc : memref<!tpu.dma_semaphore, #tpu.memory_space<semaphore_mem>>
        %dma_start3A_64 = arith.constant 0 : i32
        %dma_start3A_65 = arith.constant 0 : i32
        %dma_start3A_66 = tpu.memref_slice %arg4[%arg0, %dma_start3A_64, %dma_start3A_65] : memref<2x10000x80xf32, #tpu.memory_space<hbm>> -> memref<1x10000x80xf32, #tpu.memory_space<hbm>>
        %dma_start3A_67 = tpu.memref_squeeze %dma_start3A_66 : memref<1x10000x80xf32, #tpu.memory_space<hbm>> -> memref<10000x80xf32, #tpu.memory_space<hbm>>
        %dma_start3A_68 = arith.constant 0 : i32
        %dma_start3A_69 = tpu.memref_slice %dma_start3A_67[%multiple_of3A_62, %dma_start3A_68] : memref<10000x80xf32, #tpu.memory_space<hbm>> -> memref<208x80xf32, #tpu.memory_space<hbm>>
        %dma_start3A_70 = arith.constant 0 : i32
        %dma_start3A_71 = tpu.memref_slice %arg15[%multiple_of3A_62, %dma_start3A_70] : memref<10000x80xf32, #tpu.memory_space<vmem_shared>> -> memref<208x80xf32, #tpu.memory_space<vmem_shared>>
        tpu.enqueue_dma source(%dma_start3A_71 : memref<208x80xf32, #tpu.memory_space<vmem_shared>>) target(%dma_start3A_69 : memref<208x80xf32, #tpu.memory_space<hbm>>) target_semaphore(%run_scoped3A_63 : memref<!tpu.dma_semaphore, #tpu.memory_space<semaphore_mem>>)
        %dma_wait3A_72 = arith.constant 0 : i32
        %dma_wait3A_73 = arith.constant 0 : i32
        %dma_wait3A_74 = tpu.memref_slice %arg4[%arg0, %dma_wait3A_72, %dma_wait3A_73] : memref<2x10000x80xf32, #tpu.memory_space<hbm>> -> memref<1x10000x80xf32, #tpu.memory_space<hbm>>
        %dma_wait3A_75 = tpu.memref_squeeze %dma_wait3A_74 : memref<1x10000x80xf32, #tpu.memory_space<hbm>> -> memref<10000x80xf32, #tpu.memory_space<hbm>>
        %dma_wait3A_76 = arith.constant 0 : i32
        %dma_wait3A_77 = tpu.memref_slice %dma_wait3A_75[%multiple_of3A_62, %dma_wait3A_76] : memref<10000x80xf32, #tpu.memory_space<hbm>> -> memref<208x80xf32, #tpu.memory_space<hbm>>
        %dma_wait3A_78 = arith.constant 0 : i32
        %dma_wait3A_79 = tpu.memref_slice %arg15[%multiple_of3A_62, %dma_wait3A_78] : memref<10000x80xf32, #tpu.memory_space<vmem_shared>> -> memref<208x80xf32, #tpu.memory_space<vmem_shared>>
        tpu.wait_dma2 semaphore(%run_scoped3A_63 : memref<!tpu.dma_semaphore, #tpu.memory_space<semaphore_mem>>) src(%dma_wait3A_79 : memref<208x80xf32, #tpu.memory_space<vmem_shared>>) dst(%dma_wait3A_77 : memref<208x80xf32, #tpu.memory_space<hbm>>)
        tpu.yield
      }) : () -> ()
    }
    %scan3A_52 = arith.constant 3 : i32
    %eq3A_53 = arith.constant 15 : i32
    %eq3A_54 = arith.cmpi eq, %arg1, %eq3A_53 : i32
    %convert_element_type3A_55 = arith.extui %eq3A_54 : i1 to i32
    %cond3A_56 = arith.constant 0 : i32
    %cond3A_57 = arith.cmpi ne, %convert_element_type3A_55, %cond3A_56 : i32
    scf.if %cond3A_57 {
      "tpu.region"() ({
        %run_scoped3A_58 = tpu.sem_alloc : memref<!tpu.dma_semaphore, #tpu.memory_space<semaphore_mem>>
        %dma_start3A_59 = arith.constant 0 : i32
        %dma_start3A_60 = arith.constant 0 : i32
        %dma_start3A_61 = tpu.memref_slice %arg4[%arg0, %dma_start3A_59, %dma_start3A_60] : memref<2x10000x80xf32, #tpu.memory_space<hbm>> -> memref<1x10000x80xf32, #tpu.memory_space<hbm>>
        %dma_start3A_62 = tpu.memref_squeeze %dma_start3A_61 : memref<1x10000x80xf32, #tpu.memory_space<hbm>> -> memref<10000x80xf32, #tpu.memory_space<hbm>>
        %dma_start3A_63 = arith.constant 9984 : i32
        %dma_start3A_64 = arith.constant 0 : i32
        %dma_start3A_65 = tpu.memref_slice %dma_start3A_62[%dma_start3A_63, %dma_start3A_64] : memref<10000x80xf32, #tpu.memory_space<hbm>> -> memref<16x80xf32, #tpu.memory_space<hbm>>
        %dma_start3A_66 = arith.constant 9984 : i32
        %dma_start3A_67 = arith.constant 0 : i32
        %dma_start3A_68 = tpu.memref_slice %arg15[%dma_start3A_66, %dma_start3A_67] : memref<10000x80xf32, #tpu.memory_space<vmem_shared>> -> memref<16x80xf32, #tpu.memory_space<vmem_shared>>
        tpu.enqueue_dma source(%dma_start3A_68 : memref<16x80xf32, #tpu.memory_space<vmem_shared>>) target(%dma_start3A_65 : memref<16x80xf32, #tpu.memory_space<hbm>>) target_semaphore(%run_scoped3A_58 : memref<!tpu.dma_semaphore, #tpu.memory_space<semaphore_mem>>)
        %dma_wait3A_69 = arith.constant 0 : i32
        %dma_wait3A_70 = arith.constant 0 : i32
        %dma_wait3A_71 = tpu.memref_slice %arg4[%arg0, %dma_wait3A_69, %dma_wait3A_70] : memref<2x10000x80xf32, #tpu.memory_space<hbm>> -> memref<1x10000x80xf32, #tpu.memory_space<hbm>>
        %dma_wait3A_72 = tpu.memref_squeeze %dma_wait3A_71 : memref<1x10000x80xf32, #tpu.memory_space<hbm>> -> memref<10000x80xf32, #tpu.memory_space<hbm>>
        %dma_wait3A_73 = arith.constant 9984 : i32
        %dma_wait3A_74 = arith.constant 0 : i32
        %dma_wait3A_75 = tpu.memref_slice %dma_wait3A_72[%dma_wait3A_73, %dma_wait3A_74] : memref<10000x80xf32, #tpu.memory_space<hbm>> -> memref<16x80xf32, #tpu.memory_space<hbm>>
        %dma_wait3A_76 = arith.constant 9984 : i32
        %dma_wait3A_77 = arith.constant 0 : i32
        %dma_wait3A_78 = tpu.memref_slice %arg15[%dma_wait3A_76, %dma_wait3A_77] : memref<10000x80xf32, #tpu.memory_space<vmem_shared>> -> memref<16x80xf32, #tpu.memory_space<vmem_shared>>
        tpu.wait_dma2 semaphore(%run_scoped3A_58 : memref<!tpu.dma_semaphore, #tpu.memory_space<semaphore_mem>>) src(%dma_wait3A_78 : memref<16x80xf32, #tpu.memory_space<vmem_shared>>) dst(%dma_wait3A_75 : memref<16x80xf32, #tpu.memory_space<hbm>>)
        tpu.yield
      }) : () -> ()
    } else {
    }
    return
  }
}

module attributes {stable_mosaic.version = 14 : i64} {
  func.func @_tc1_body(%arg0: memref<10000x128xf32, #tpu.memory_space<vmem>>, %arg1: memref<64x128xf32, #tpu.memory_space<vmem>>, %arg2: memref<64x128xf32, #tpu.memory_space<vmem>>, %arg3: memref<1x64xf32, #tpu.memory_space<vmem>>, %arg4: memref<10000x80xf32, #tpu.memory_space<vmem>>, %arg5: memref<10000x64xf32, #tpu.memory_space<vmem>>) attributes {dimension_semantics = [], scalar_prefetch = 0 : i64, scratch_operands = 0 : i64, tpu.core_type = #tpu.core_type<tc>} {
    %get3A = arith.constant 0 : index
    %get3A_0 = arith.constant 0 : index
    %get3A_1 = vector.load %arg0[%get3A, %get3A_0] : memref<10000x128xf32, #tpu.memory_space<vmem>>, vector<10000x128xf32>
    %get3A_2 = arith.constant 0 : index
    %get3A_3 = arith.constant 0 : index
    %get3A_4 = vector.load %arg1[%get3A_2, %get3A_3] : memref<64x128xf32, #tpu.memory_space<vmem>>, vector<64x128xf32>
    %dot_general3A = arith.constant dense<0.000000e+00> : vector<10000x64xf32>
    %dot_general3A_5 = tpu.matmul %get3A_1, %get3A_4, %dot_general3A {dimension_numbers = #tpu.dot_dimension_numbers<[1], [1], [0], [0], [0, 0, 1, 0], [], []>, transpose_lhs_hint = false} : vector<10000x128xf32>, vector<64x128xf32>, vector<10000x64xf32> -> vector<10000x64xf32>
    %broadcast_in_dim3A = arith.constant 1.000000e+00 : f32
    %broadcast_in_dim3A_6 = vector.broadcast %broadcast_in_dim3A : f32 to vector<10000x1xf32>
    %broadcast_in_dim3A_7 = arith.constant 0.000000e+00 : f32
    %broadcast_in_dim3A_8 = vector.broadcast %broadcast_in_dim3A_7 : f32 to vector<10000x15xf32>
    %concatenate3A = tpu.concatenate %dot_general3A_5, %broadcast_in_dim3A_6, %broadcast_in_dim3A_8 in 1 : vector<10000x64xf32>, vector<10000x1xf32>, vector<10000x15xf32> -> vector<10000x80xf32>
    %swap3A = arith.constant 0 : index
    %swap3A_9 = arith.constant 0 : index
    %swap3A_10 = vector.load %arg4[%swap3A, %swap3A_9] : memref<10000x80xf32, #tpu.memory_space<vmem>>, vector<10000x80xf32>
    tpu.vector_store %arg4[%swap3A, %swap3A_9], %concatenate3A {strides = array<i32>} : memref<10000x80xf32, #tpu.memory_space<vmem>>, vector<10000x80xf32>,
    %get3A_11 = arith.constant 0 : index
    %get3A_12 = arith.constant 0 : index
    %get3A_13 = vector.load %arg2[%get3A_11, %get3A_12] : memref<64x128xf32, #tpu.memory_space<vmem>>, vector<64x128xf32>
    %dot_general3A_14 = arith.constant dense<0.000000e+00> : vector<10000x64xf32>
    %dot_general3A_15 = tpu.matmul %get3A_1, %get3A_13, %dot_general3A_14 {dimension_numbers = #tpu.dot_dimension_numbers<[1], [1], [0], [0], [0, 0, 1, 0], [], []>, transpose_lhs_hint = false} : vector<10000x128xf32>, vector<64x128xf32>, vector<10000x64xf32> -> vector<10000x64xf32>
    %get3A_16 = arith.constant 0 : index
    %get3A_17 = arith.constant 0 : index
    %get3A_18 = vector.load %arg3[%get3A_16, %get3A_17] : memref<1x64xf32, #tpu.memory_space<vmem>>, vector<1x64xf32>
    %add3A = vector.broadcast %get3A_18 : vector<1x64xf32> to vector<10000x64xf32>
    %add3A_19 = arith.addf %dot_general3A_15, %add3A : vector<10000x64xf32>
    %swap3A_20 = arith.constant 0 : index
    %swap3A_21 = arith.constant 0 : index
    %swap3A_22 = vector.load %arg5[%swap3A_20, %swap3A_21] : memref<10000x64xf32, #tpu.memory_space<vmem>>, vector<10000x64xf32>
    tpu.vector_store %arg5[%swap3A_20, %swap3A_21], %add3A_19 {strides = array<i32>} : memref<10000x64xf32, #tpu.memory_space<vmem>>, vector<10000x64xf32>,
    return
  }
}

module attributes {stable_mosaic.version = 14 : i64} {
  func.func @_tc2_body(%arg0: memref<10000x80xf32, #tpu.memory_space<vmem>>, %arg1: memref<10000x80xf32, #tpu.memory_space<vmem>>, %arg2: memref<10000x64xf32, #tpu.memory_space<vmem>>, %arg3: memref<2x64xf32, #tpu.memory_space<vmem>>, %arg4: memref<2x64xf32, #tpu.memory_space<vmem>>, %arg5: memref<1x2xf32, #tpu.memory_space<vmem>>, %arg6: memref<10000x16xf32, #tpu.memory_space<vmem>>, %arg7: memref<10000x2xf32, #tpu.memory_space<vmem>>, %arg8: memref<10000x1xf32, #tpu.memory_space<vmem>>) attributes {dimension_semantics = [], scalar_prefetch = 0 : i64, scratch_operands = 0 : i64, tpu.core_type = #tpu.core_type<tc>} {
    %get3A = arith.constant 0 : index
    %get3A_0 = arith.constant 0 : index
    %get3A_1 = vector.load %arg0[%get3A, %get3A_0] : memref<10000x80xf32, #tpu.memory_space<vmem>>, vector<10000x80xf32>
    %get3A_2 = arith.constant 0 : index
    %get3A_3 = arith.constant 0 : index
    %get3A_4 = vector.load %arg1[%get3A_2, %get3A_3] : memref<10000x80xf32, #tpu.memory_space<vmem>>, vector<10000x80xf32>
    %add3A = arith.addf %get3A_1, %get3A_4 : vector<10000x80xf32>
    %slice3A = vector.extract_strided_slice %add3A {offsets = [0, 0], sizes = [10000, 64], strides = [1, 1]} : vector<10000x80xf32> to vector<10000x64xf32>
    %slice3A_5 = vector.extract_strided_slice %add3A {offsets = [0, 64], sizes = [10000, 1], strides = [1, 1]} : vector<10000x80xf32> to vector<10000x1xf32>
    %max3A = arith.constant 1.000000e+00 : f32
    %max3A_6 = vector.broadcast %max3A : f32 to vector<10000x1xf32>
    %max3A_7 = arith.maximumf %slice3A_5, %max3A_6 : vector<10000x1xf32>
    %div3A = vector.broadcast %max3A_7 : vector<10000x1xf32> to vector<10000x64xf32>
    %div3A_8 = arith.divf %slice3A, %div3A : vector<10000x64xf32>
    %get3A_9 = arith.constant 0 : index
    %get3A_10 = arith.constant 0 : index
    %get3A_11 = vector.load %arg2[%get3A_9, %get3A_10] : memref<10000x64xf32, #tpu.memory_space<vmem>>, vector<10000x64xf32>
    %add3A_12 = arith.addf %div3A_8, %get3A_11 : vector<10000x64xf32>
    %max3A_13 = arith.constant 0.000000e+00 : f32
    %max3A_14 = vector.broadcast %max3A_13 : f32 to vector<10000x64xf32>
    %max3A_15 = arith.maximumf %add3A_12, %max3A_14 : vector<10000x64xf32>
    %get3A_16 = arith.constant 0 : index
    %get3A_17 = arith.constant 0 : index
    %get3A_18 = vector.load %arg3[%get3A_16, %get3A_17] : memref<2x64xf32, #tpu.memory_space<vmem>>, vector<2x64xf32>
    %dot_general3A = arith.constant dense<0.000000e+00> : vector<10000x2xf32>
    %dot_general3A_19 = tpu.matmul %max3A_15, %get3A_18, %dot_general3A {dimension_numbers = #tpu.dot_dimension_numbers<[1], [1], [0], [0], [0, 0, 1, 0], [], []>, transpose_lhs_hint = false} : vector<10000x64xf32>, vector<2x64xf32>, vector<10000x2xf32> -> vector<10000x2xf32>
    %broadcast_in_dim3A = arith.constant 0.000000e+00 : f32
    %broadcast_in_dim3A_20 = vector.broadcast %broadcast_in_dim3A : f32 to vector<10000x14xf32>
    %concatenate3A = tpu.concatenate %dot_general3A_19, %broadcast_in_dim3A_20 in 1 : vector<10000x2xf32>, vector<10000x14xf32> -> vector<10000x16xf32>
    %swap3A = arith.constant 0 : index
    %swap3A_21 = arith.constant 0 : index
    %swap3A_22 = vector.load %arg6[%swap3A, %swap3A_21] : memref<10000x16xf32, #tpu.memory_space<vmem>>, vector<10000x16xf32>
    tpu.vector_store %arg6[%swap3A, %swap3A_21], %concatenate3A {strides = array<i32>} : memref<10000x16xf32, #tpu.memory_space<vmem>>, vector<10000x16xf32>,
    %get3A_23 = arith.constant 0 : index
    %get3A_24 = arith.constant 0 : index
    %get3A_25 = vector.load %arg4[%get3A_23, %get3A_24] : memref<2x64xf32, #tpu.memory_space<vmem>>, vector<2x64xf32>
    %dot_general3A_26 = arith.constant dense<0.000000e+00> : vector<10000x2xf32>
    %dot_general3A_27 = tpu.matmul %max3A_15, %get3A_25, %dot_general3A_26 {dimension_numbers = #tpu.dot_dimension_numbers<[1], [1], [0], [0], [0, 0, 1, 0], [], []>, transpose_lhs_hint = false} : vector<10000x64xf32>, vector<2x64xf32>, vector<10000x2xf32> -> vector<10000x2xf32>
    %get3A_28 = arith.constant 0 : index
    %get3A_29 = arith.constant 0 : index
    %get3A_30 = vector.load %arg5[%get3A_28, %get3A_29] : memref<1x2xf32, #tpu.memory_space<vmem>>, vector<1x2xf32>
    %add3A_31 = vector.broadcast %get3A_30 : vector<1x2xf32> to vector<10000x2xf32>
    %add3A_32 = arith.addf %dot_general3A_27, %add3A_31 : vector<10000x2xf32>
    %swap3A_33 = arith.constant 0 : index
    %swap3A_34 = arith.constant 0 : index
    %swap3A_35 = vector.load %arg7[%swap3A_33, %swap3A_34] : memref<10000x2xf32, #tpu.memory_space<vmem>>, vector<10000x2xf32>
    tpu.vector_store %arg7[%swap3A_33, %swap3A_34], %add3A_32 {strides = array<i32>} : memref<10000x2xf32, #tpu.memory_space<vmem>>, vector<10000x2xf32>,
    %swap3A_36 = arith.constant 0 : index
    %swap3A_37 = arith.constant 0 : index
    %swap3A_38 = vector.load %arg8[%swap3A_36, %swap3A_37] : memref<10000x1xf32, #tpu.memory_space<vmem>>, vector<10000x1xf32>
    tpu.vector_store %arg8[%swap3A_36, %swap3A_37], %max3A_7 {strides = array<i32>} : memref<10000x1xf32, #tpu.memory_space<vmem>>, vector<10000x1xf32>,
    return
  }
}

module attributes {stable_mosaic.version = 14 : i64} {
  func.func @_tc3_body(%arg0: memref<10000x16xf32, #tpu.memory_space<vmem>>, %arg1: memref<10000x16xf32, #tpu.memory_space<vmem>>, %arg2: memref<10000x2xf32, #tpu.memory_space<vmem>>, %arg3: memref<10000x1xf32, #tpu.memory_space<vmem>>, %arg4: memref<10000x2xf32, #tpu.memory_space<vmem>>) attributes {dimension_semantics = [], scalar_prefetch = 0 : i64, scratch_operands = 0 : i64, tpu.core_type = #tpu.core_type<tc>} {
    %get3A = arith.constant 0 : index
    %get3A_0 = arith.constant 0 : index
    %get3A_1 = vector.load %arg0[%get3A, %get3A_0] : memref<10000x16xf32, #tpu.memory_space<vmem>>, vector<10000x16xf32>
    %get3A_2 = arith.constant 0 : index
    %get3A_3 = arith.constant 0 : index
    %get3A_4 = vector.load %arg1[%get3A_2, %get3A_3] : memref<10000x16xf32, #tpu.memory_space<vmem>>, vector<10000x16xf32>
    %add3A = arith.addf %get3A_1, %get3A_4 : vector<10000x16xf32>
    %slice3A = vector.extract_strided_slice %add3A {offsets = [0, 0], sizes = [10000, 2], strides = [1, 1]} : vector<10000x16xf32> to vector<10000x2xf32>
    %get3A_5 = arith.constant 0 : index
    %get3A_6 = arith.constant 0 : index
    %get3A_7 = vector.load %arg3[%get3A_5, %get3A_6] : memref<10000x1xf32, #tpu.memory_space<vmem>>, vector<10000x1xf32>
    %div3A = vector.broadcast %get3A_7 : vector<10000x1xf32> to vector<10000x2xf32>
    %div3A_8 = arith.divf %slice3A, %div3A : vector<10000x2xf32>
    %get3A_9 = arith.constant 0 : index
    %get3A_10 = arith.constant 0 : index
    %get3A_11 = vector.load %arg2[%get3A_9, %get3A_10] : memref<10000x2xf32, #tpu.memory_space<vmem>>, vector<10000x2xf32>
    %add3A_12 = arith.addf %div3A_8, %get3A_11 : vector<10000x2xf32>
    %reduce_max3A = arith.constant dense<0xFF800000> : vector<10000xf32>
    %reduce_max3A_13 = vector.multi_reduction <maximumf>, %add3A_12, %reduce_max3A [1] : vector<10000x2xf32> to vector<10000xf32>
    %broadcast_in_dim3A = vector.shape_cast %reduce_max3A_13 : vector<10000xf32> to vector<10000x1xf32>
    %sub3A = vector.broadcast %broadcast_in_dim3A : vector<10000x1xf32> to vector<10000x2xf32>
    %sub3A_14 = arith.subf %add3A_12, %sub3A : vector<10000x2xf32>
    %exp3A = math.exp %sub3A_14 : vector<10000x2xf32>
    %reduce_sum3A = arith.constant dense<0.000000e+00> : vector<10000xf32>
    %reduce_sum3A_15 = vector.multi_reduction <add>, %exp3A, %reduce_sum3A [1] : vector<10000x2xf32> to vector<10000xf32>
    %broadcast_in_dim3A_16 = vector.shape_cast %reduce_sum3A_15 : vector<10000xf32> to vector<10000x1xf32>
    %log3A = math.log %broadcast_in_dim3A_16 : vector<10000x1xf32>
    %add3A_17 = arith.addf %broadcast_in_dim3A, %log3A : vector<10000x1xf32>
    %sub3A_18 = vector.broadcast %add3A_17 : vector<10000x1xf32> to vector<10000x2xf32>
    %sub3A_19 = arith.subf %add3A_12, %sub3A_18 : vector<10000x2xf32>
    %swap3A = arith.constant 0 : index
    %swap3A_20 = arith.constant 0 : index
    %swap3A_21 = vector.load %arg4[%swap3A, %swap3A_20] : memref<10000x2xf32, #tpu.memory_space<vmem>>, vector<10000x2xf32>
    tpu.vector_store %arg4[%swap3A, %swap3A_20], %sub3A_19 {strides = array<i32>} : memref<10000x2xf32, #tpu.memory_space<vmem>>, vector<10000x2xf32>,
    return
  }
}

</mosaic_0001>

<sc_bundles>
// kernel: kernel.10.cloned.1.call-start
scs
__scs_entry_jumppad:
0x0: {  	(pc) =	sbr.rel $0x88, $3  }
0x1: {  	(tag) =	ssettag $0x0;
	lr =	simm.s32 $0x1  }
0x2: {  	[smem:$0x3F99] =	sst lr;
	_ =	strace $0xD0000000  }
0x3: {  	_ = 	snop  }
0x4: {  	_ = 	snop  }
0x5: {  	_ = 	snop  }
0x6: {  	_ = 	snop  }
0x7: {  	_ = 	snop  }
__scs_overlays_trampoline_lowered:
0x8: {  	[smem:$0x3FA8] =	sst s0  }
0x9: {  	[smem:$0x3FA9] =	sst s1  }
0xa: {  	[smem:$0x3FAA] =	sst s2  }
0xb: {  	[smem:$0x3FAB] =	sst s3  }
0xc: {  	[smem:$0x3FAC] =	sst s4  }
0xd: {  	[smem:$0x3FAD] =	sst s5  }
0xe: {  	[smem:$0x3FAE] =	sst s6  }
0xf: {  	[smem:$0x3FAF] =	sst s7  }
0x10: {  	[smem:$0x3FB0] =	sst s8  }
0x11: {  	[smem:$0x3FB1] =	sst s9;
	s0 =	simm.s32 @!p0 $0x0  }
0x12: {  	s1 =	sld [smem:$0x3F97];
	s0 =	simm.s32 @p0 $0x1  }
0x13: {  	[smem:$0x3FB2] =	sst s0;
	s0 =	simm.s32 @!p1 $0x0  }
0x14: {  	s2 =	sld [smem:$0x3F96];
	s0 =	simm.s32 @p1 $0x1  }
0x15: {  	[smem:$0x3FB3] =	sst s0;
	s0 =	simm.s32 @!p2 $0x0  }
0x16: {  	s3 =	sld [smem:$0x3FDB];
	s0 =	simm.s32 @p2 $0x1  }
0x17: {  	s4 =	simm.s32 $0x1BF5;
	[smem:$0x3FB5] =	sst s0  }
0x18: {  	s0 =	sld [smem:$0x3F98];
	_ =	swait.ge [sflag:s4], $0x0  }
0x19: {  	s7 =	sld [smem:$0x3F99]  }
0x1a: {  	s8 =	sadd.s32 $0xFFFFE003, lr  }
0x1b: {  	s9 =	sadd.s32 $0xFFFFFEF7, lr;
	s5 =	simm.s32 $0xFFFFFFFF;
	p2 =	slt.u32 s8, $0xFFFFF086  }
0x1c: {  	p1 =	slt.u32 s9, $0xF7A;
	s5 =	simm.s32 @!p2 $0x0  }
0x1d: {  	s5 =	simm.s32 @p1 $0x1;
	p0 =	seq.s32 s7, s2  }
0x1e: {  	s7 =	smul.u32 @!p0 $0xF7A, s2;
	p2 =	seq.s32 @!p0 s5, $0x0  }
0x1f: {  	s9 =	smul.u32 $0xF7A, s1;
	s8 =	simm.s32 @!p0 $0x1BF5;
	p2 =	por !p2, p0  }
0x20: {  	[sflag:s8] =	ssyncset.s32 @!p0 $0xFFFFF086;
	s6 =	sadd.s32 @!p0 s3, s7;
	s7 =	simm.s32 @!p0 $0x108  }
0x21: {  	s3 =	sadd.s32 s3, s9;
	s6 =	sadd.s32 @!p0 $0x88, s6;
	s7 =	simm.s32 @p2 $0x1082  }
0x22: {  	[simem:s7], [sflag:s8] =	dma.local @!p0 [hbm:s6], $0xF7A  }
0x23: {  	s9 =	sor.u32 $0xD0000000, s2;
	s6 =	simm.s32 $0x108;
	_ =	swait.ge @!p0 [sflag:s8], $0x0  }
0x24: {  	s3 =	sadd.s32 $0x88, s3;
	s6 =	simm.s32 @!p1 $0x1082;
	[sflag:s4] =	ssyncset.s32 $0xFFFFF086  }
0x25: {  	[simem:s6], [sflag:s4] =	dma.local [hbm:s3], $0xF7A  }
0x26: {  	[smem:$0x3F99] =	sst s1;
	(tag) =	ssettag s2;
	_ =	strace s9  }
0x27: {  	s1 =	sld [smem:$0x3FA9]  }
0x28: {  	s2 =	sld [smem:$0x3FAA]  }
0x29: {  	s4 =	sld [smem:$0x3FAC]  }
0x2a: {  	p0 =	seq.s32 s5, $0x0;
	s5 =	sld [smem:$0x3FAD]  }
0x2b: {  	s6 =	sld [smem:$0x3FAE]  }
0x2c: {  	s7 =	sld [smem:$0x3FAF]  }
0x2d: {  	s3 =	simm.s32 $0x108;
	s8 =	sld [smem:$0x3FB0]  }
0x2e: {  	s3 =	simm.s32 @!p0 $0x1082;
	s9 =	sld [smem:$0x3FB1]  }
0x2f: {  	lr =	sadd.s32 s0, s3;
	s0 =	sld [smem:$0x3FA8]  }
0x30: {  	s3 =	sld [smem:$0x3FAB]  }
0x31: {  	[smem:$0x3FB4] =	sst s10  }
0x32: {  	s10 =	sld [smem:$0x3FB2];
	_ =	sdelay $0x3  }
0x33: {  	p0 =	seq.s32 s10, $0x1;
	s10 =	sld [smem:$0x3FB4];
	_ =	sdelay $0x3  }
0x34: {  	[smem:$0x3FB4] =	sst s10  }
0x35: {  	s10 =	sld [smem:$0x3FB3];
	_ =	sdelay $0x3  }
0x36: {  	p1 =	seq.s32 s10, $0x1;
	s10 =	sld [smem:$0x3FB4];
	_ =	sdelay $0x3  }
0x37: {  	[smem:$0x3FB4] =	sst s10  }
0x38: {  	s10 =	sld [smem:$0x3FB5]  }
0x39: {  	_ = 	snop;
	(pc) =	sbr.ind lr, $3  }
0x3a: {  	_ = 	snop  }
0x3b: {  	_ = 	snop  }
0x3c: {  	p2 =	seq.s32 s10, $0x1;
	s10 =	sld [smem:$0x3FB4]  }
0x3d: {  	_ =	shalt  }
0x3e: {  	_ =	shalt  }
0x3f: {  	_ =	shalt  }
0x40: {  	_ =	shalt  }
0x41: {  	_ =	shalt  }
0x42: {  	_ =	shalt  }
0x43: {  	_ =	shalt  }
0x44: {  	_ =	shalt  }
0x45: {  	_ =	shalt  }
0x46: {  	_ =	shalt  }
0x47: {  	_ =	shalt  }
0x48: {  	_ =	shalt  }
0x49: {  	_ =	shalt  }
0x4a: {  	_ =	shalt  }
0x4b: {  	_ =	shalt  }
0x4c: {  	_ =	shalt  }
0x4d: {  	_ =	shalt  }
0x4e: {  	_ =	shalt  }
0x4f: {  	_ =	shalt  }
0x50: {  	_ =	shalt  }
0x51: {  	_ =	shalt  }
0x52: {  	_ =	shalt  }
0x53: {  	_ =	shalt  }
0x54: {  	_ =	shalt  }
0x55: {  	_ =	shalt  }
0x56: {  	_ =	shalt  }
0x57: {  	_ =	shalt  }
0x58: {  	_ =	shalt  }
0x59: {  	_ =	shalt  }
0x5a: {  	_ =	shalt  }
0x5b: {  	_ =	shalt  }
0x5c: {  	_ =	shalt  }
0x5d: {  	_ =	shalt  }
0x5e: {  	_ =	shalt  }
0x5f: {  	_ =	shalt  }
0x60: {  	_ =	shalt  }
0x61: {  	_ =	shalt  }
0x62: {  	_ =	shalt  }
0x63: {  	_ =	shalt  }
0x64: {  	_ =	shalt  }
0x65: {  	_ =	shalt  }
0x66: {  	_ =	shalt  }
0x67: {  	_ =	shalt  }
0x68: {  	_ =	shalt  }
0x69: {  	_ =	shalt  }
0x6a: {  	_ =	shalt  }
0x6b: {  	_ =	shalt  }
0x6c: {  	_ =	shalt  }
0x6d: {  	_ =	shalt  }
0x6e: {  	_ =	shalt  }
0x6f: {  	_ =	shalt  }
0x70: {  	_ =	shalt  }
0x71: {  	_ =	shalt  }
0x72: {  	_ =	shalt  }
0x73: {  	_ =	shalt  }
0x74: {  	_ =	shalt  }
0x75: {  	_ =	shalt  }
0x76: {  	_ =	shalt  }
0x77: {  	_ =	shalt  }
0x78: {  	_ =	shalt  }
0x79: {  	_ =	shalt  }
0x7a: {  	_ =	shalt  }
0x7b: {  	_ =	shalt  }
0x7c: {  	_ =	shalt  }
0x7d: {  	_ =	shalt  }
0x7e: {  	_ =	shalt  }
0x7f: {  	_ =	shalt  }
0x80: {  	_ =	shalt  }
0x81: {  	_ =	shalt  }
0x82: {  	_ =	shalt  }
0x83: {  	_ =	shalt  }
0x84: {  	_ =	shalt  }
0x85: {  	_ =	shalt  }
0x86: {  	_ =	shalt  }
0x87: {  	_ =	shalt  }
.Lfunc_end0:
.L_simem_size_0:
called_computation.1_lowered:
.L_overlay_start_0:
0x88: {  	s2 =	sld [smem:$0x3FD9]  }
0x89: {  	s3 =	sld [smem:$0x3FFE];
	_ =	sdelay $0x1  }
0x8a: {  	s1 =	srdreg.scid  }
0x8b: {  	s0 =	sand.u32 $0x1, s1  }
0x8c: {  	s16 =	sshll.u32 s0, $0xA;
	s2 =	sadd.s32 s3, s2  }
0x8d: {  	s2 =	sadd.s32 s2, s16  }
0x8e: {  	[smem:$0x3FC0] =	sst s2  }
0x8f: {  	_ = 	snop  }
0x90: {  	(tm) =	ssettm $0x1  }
0x91: {  	s17 =	sld [smem:$0x3FFB];
	_ =	sdelay $0x3  }
0x92: {  	_ =	strace s17  }
0x93: {  	s2 =	sld [smem:$0x3FFC];
	_ =	sdelay $0x3  }
0x94: {  	_ =	strace s2  }
0x95: {  	s2 =	sld [smem:$0x3FFD];
	_ =	sdelay $0x3  }
0x96: {  	_ =	strace s2  }
0x97: {  	_ =	strace $0x8FFFFFFF  }
0x98: {  	s18 =	sld [smem:$0x3FDB];
	_ =	sdelay $0x1  }
0x99: {  	s19 =	simm.s32 $_scs_section_size  }
0x9a: {  	s4 =	simm.s32 $_size__tile_overlayer_lowered;
	s5 =	simm.s32 $_tile_overlayer_lowered  }
0x9b: {  	s22 =	simm.s32 $0x1BFF;
	s21 =	sshll.u32 s5, $0x1;
	s2 =	sadd.s32 s19, s18  }
0x9c: {  	s6 =	simm.s32 $0x0;
	s20 =	sshll.u32 s4, $0x1;
	s4 =	sadd.s32 s21, s2  }
0x9d: {  	[timem:s6], [sflag:s22] =	dma.local [hbm:s4], s20  }
0x9e: {  	_ =	swait.ge [sflag:s22], s20  }
0x9f: {  	s3 =	ssub.s32 $0x0, s20;
	[sflag:s22] =	ssyncset.done $0x0  }
0xa0: {  	[sflag:s22] =	ssyncadd.s32 s3;
	_ =	sdelay $0x1  }
0xa1: {  	s23 =	simm.s32 $0x1B8B  }
0xa2: {  	_ =	swait.ge [sflag:s23], $0x1  }
0xa3: {  	[sflag:s23] =	ssyncset.done $0x0  }
0xa4: {  	s25 =	simm.s32 $0x1B8E;
	s24 =	sld [smem:$0x3FFE];
	[sflag:s23] =	ssyncadd.s32 $0xFFFFFFFF  }
0xa5: {  	s26 =	simm.s32 $execute0_lowered;
	[smem:$0x3FD2] =	sst s25  }
0xa6: {  	s4 =	sshll.u32 s26, $0x1;
	_ =	strace $0x80000049;
	[dreg:$0x1] =	wrdreg $0xFFFFFFFF  }
0xa7: {  	s28 =	simm.s32 $_size_execute0_lowered;
	s2 =	sadd.s32 s2, s4;
	[dreg:$0x0] =	wrdreg $0x0  }
0xa8: {  	s4 =	sshll.u32 s28, $0x1;
	[dreg:$0x2] =	wrdreg s2  }
0xa9: {  	[dreg:$0x3] =	wrdreg s4  }
0xaa: {  	[dreg:$0x4] =	wrdreg $0xC0  }
0xab: {  	_ =	task [dreg:s6], $0x5FFFF  }
0xac: {  	[dreg:$0x1] =	wrdreg $0xFFFFFFFF  }
0xad: {  	[dreg:$0x0] =	wrdreg $0x60  }
0xae: {  	[dreg:$0x2] =	wrdreg s24  }
0xaf: {  	[dreg:$0x3] =	wrdreg $0x2A600  }
0xb0: {  	[dreg:$0x4] =	wrdreg $0x9  }
0xb1: {  	_ =	task.clear_ibuf [dreg:s6], $0x5FFFF;
	_ =	strace $0x90000049  }
0xb2: {  	s29 =	simm.s32 $0x9;
	_ =	strace $0x8000004B  }
0xb3: {  	_ =	swait.ge [sflag:s29], $0x1  }
0xb4: {  	[sflag:s29] =	ssyncadd.s32 $0xFFFFFFFF  }
0xb5: {  	_ =	strace $0x9000004B  }
0xb6: {  	_ =	sfence  }
0xb7: {  	s30 =	sld [smem:$0x0];
	_ =	sdelay $0x2  }
0xb8: {  	s31 =	sshll.u32 s1, $0xD;
	s1 =	sshrl.u32 s1, $0x2  }
0xb9: {  	s3 =	sand.u32 $0x4000, s31;
	s1 =	sadd.s32 s1, s30  }
0xba: {  	s0 =	sor.u32 s3, s0;
	s1 =	sshll.u32 s1, $0x11  }
0xbb: {  	s0 =	sor.u32 s1, s0  }
0xbc: {  	s0 =	sadd.s32 $0x8F2B, s0  }
0xbd: {  	[sflag:s0] =	ssyncadd.remote.s32 $0x1  }
0xbe: {  	_ =	sfence.sel $0xFFFF  }
0xbf: {  	[dreg:$0x0] =	wrdreg $0xFFFFFFFF;
	(pc) =	sbr.abs _section_cstart, $3  }
0xc0: {  	[dreg:$0x1] =	wrdreg $0xFFFFFFFF  }
0xc1: {  	_ =	task.clear_ibuf [dreg:s6], $0x2FFFF;
	_ =	strace $0x9FFFFFFF  }
0xc2: {  	(tm) =	ssettm $0x7FFFFFFF  }
0xc3: {  	_ =	shalt  }
tec
execute0_lowered:
.L_overlay_start_1:
0x0: {  	(tag) =	ssettag $0x1  }
0x1: {  	s0 =	rddreg [dreg:$0x0]  }
0x2: {  	s2 =	rddreg [dreg:$0x1];
	s1 =	srdreg.scid  }
0x3: {  	s10 =	stileid.u32;
	s3 =	simm.s32 $0x0;
	s28 =	simm.s32 $0x1040  }
0x4: {  	s29 =	simm.s32 $0x4;
	s30 =	simm.s32 $0x16C0;
	s9 =	smul.u32 $0x270, s10  }
0x5: {  	s31 =	simm.s32 $0x5;
	s1 =	sand.u32 $0x1, s1;
	s14 =	smul.u32 $0x9C00, s10  }
0x6: {  	s4 =	sshll.u32 s10, $0x1;
	[smem:$0x7FF] =	sst s3;
	s15 =	smul.u32 $0x4E20, s10  }
0x7: {  	s7 =	sadd.s32 $0x2200, s0;
	s11 =	sadd.s32 $0x27000, s2;
	s26 =	smul.u32 $0x4E0, s10  }
0x8: {  	p0 =	sne.s32 s10, $0xF;
	s10 =	simm.s32 $0x0;
	s5 =	smul.u32 $0x4E20, s1  }
0x9: {  	s6 =	sor.u32 s1, s4;
	_ =	strace $0x8000004A;
	s4 =	sadd.s32 $0x3CE00, s0  }
0xa: {  	s13 =	ssub.s32 $0x2, s1;
	s1 =	smul.u32 $0x2710, s1;
	[dreg:$0x9] =	wrdreg s11  }
0xb: {  	s6 =	smul.u32 $0x2710, s6;
	s8 =	sshrl.u32 s13, $0x1;
	s16 =	sshrl.u32 s14, $0x2  }
0xc: {  	s17 =	sadd.s32 $0xD0, s9;
	s19 =	sadd.s32 $0x1A0, s9;
	s14 =	simm.s32 $0x68  }
0xd: {  	s0 =	sadd.s32 s5, s0;
	s5 =	ssub.s32 s13, s8;
	s13 =	sadd.s32 s16, s2  }
0xe: {  	s18 =	sshll.u32 s17, $0x4;
	s1 =	sadd.s32 s1, s15;
	s20 =	sshll.u32 s19, $0x4  }
0xf: {  	s9 =	sshll.u32 s19, $0x1;
	s15 =	simm.s32 $0x4E200;
	s16 =	simm.s32 $0xD0  }
0x10: {  	s19 =	simm.s32 $0x1;
	s8 =	simm.s32 $0x2D8;
	s6 =	sshrl.u32 s6, $0x3  }
0x11: {  	s12 =	sadd.s32 $0x41E00, s0;
	s5 =	smax.u32 s5, $0x1;
	s22 =	sadd.s32 $0x138, s1  }
0x12: {  	s24 =	sadd.s32 $0xD0, s1;
	s0 =	sshll.u32 s17, $0x1;
	[dreg:$0xd] =	wrdreg s13  }
0x13: {  	s17 =	simm.s32 $0x1A0;
	s6 =	sadd.s32 s7, s6;
	[dreg:$0xc] =	wrdreg s5  }
0x14: {  	s5 =	sadd.s32 s18, s2;
	s23 =	sshrl.u32 s22, $0x3;
	[dreg:$0xb] =	wrdreg s12  }
0x15: {  	s18 =	simm.s32 $0x270;
	s0 =	sadd.s32 s0, s12;
	[dreg:$0xe] =	wrdreg s5  }
0x16: {  	s22 =	simm.s32 $0x9C0;
	s6 =	sadd.s32 $0x4E0, s6;
	[dreg:$0x11] =	wrdreg s0  }
0x17: {  	s5 =	sadd.s32 s20, s2;
	s20 =	simm.s32 $0x340;
	[dreg:$0xa] =	wrdreg s6  }
0x18: {  	s0 =	simm.s32 $0x6;
	s6 =	sshrl.u32 s1, $0x3;
	[dreg:$0xf] =	wrdreg s5  }
0x19: {  	s5 =	sadd.s32 s23, s7;
	s1 =	sadd.s32 $0x68, s1;
	s23 =	simm.s32 $0x138  }
0x1a: {  	s21 =	sadd.s32 s6, s7;
	s6 =	sshrl.u32 s24, $0x3;
	[dreg:$0x4] =	wrdreg s5  }
0x1b: {  	s1 =	sshrl.u32 s1, $0x3;
	[dreg:$0x7] =	wrdreg s23;
	s24 =	simm.s32 $0x208  }
0x1c: {  	s23 =	simm.s32 $0xA;
	[dreg:$0x3] =	wrdreg s21;
	s25 =	sadd.s32 s6, s7  }
0x1d: {  	s1 =	sadd.s32 s1, s7;
	s21 =	simm.s32 $0x2;
	[dreg:$0x8] =	wrdreg s24  }
0x1e: {  	s6 =	simm.s32 $0x8;
	s7 =	simm.s32 $0x9;
	[dreg:$0x5] =	wrdreg s25  }
0x1f: {  	s24 =	simm.s32 $0xB;
	[dreg:$0x6] =	wrdreg s1;
	s25 =	sadd.s32 s26, s12  }
0x20: {  	s26 =	sadd.s32 s9, s12;
	s1 =	simm.s32 $0x7;
	[dreg:$0x10] =	wrdreg s25  }
0x21: {  	v0 =	vimm.f32 $0.0e+00;
	[dreg:$0x12] =	wrdreg s26;
	s26 =	simm.s32 $0x3;
	s25 =	simm.s32 $0xC  }
.LBB2_1:
0x22: {  	[dreg:$0x13] =	wrdreg s10;
	s5 =	simm.s32 $0x40;
	s9 =	simm.s32 $0x0  }
.LBB2_2:
0x23: {  	p1 =	sne.s32 s5, $0x33C0;
	[tilespmem:s9+$0x1D60] =	vst v0;
	s9 =	smov.u32 s5;
	s5 =	sadd.s32 $0x40, s5  }
.Ltmp0:
0x24: {  	(pc) =	sbr.rel @p1 .LBB2_2-.Ltmp0, $2  }
0x25: {  	_ =	sdelay $0x2  }
0x26: {  	s9 =	sshra.s32 s9, $0x2  }
0x27: {  	[tilespmem:s9+$0x1D60] =	vst v0;
	s12 =	simm.s32 $0x1D60;
	s10 =	simm.s32 $0xD  }
0x28: {  	[spmem:s13] =	stream.linear.scatter [tilespmem:s12], [sflag:$0xD], $0xD00, $0x38;
	[tilespmem:$0x5170] =	vst v63  }
0x29: {  	_ =	swait.ge [sflag:s10], $0xD00  }
0x2a: {  	[sflag:s10] =	ssyncset.done $0x0  }
0x2b: {  	s5 =	rddreg [dreg:$0xe];
	[sflag:s10] =	ssyncadd.s32 $0xFFFFF300  }
0x2c: {  	[spmem:s5] =	stream.linear.scatter [tilespmem:s12], [sflag:$0xD], $0xD00, $0x38;
	[tilespmem:$0x5170] =	vst v63  }
0x2d: {  	_ =	swait.ge [sflag:s10], $0xD00  }
0x2e: {  	[sflag:s10] =	ssyncset.done $0x0  }
0x2f: {  	s13 =	rddreg [dreg:$0xf];
	[sflag:s10] =	ssyncadd.s32 $0xFFFFF300  }
0x30: {  	[spmem:s13] =	stream.linear.scatter [tilespmem:s12], [sflag:$0xD], $0xD00, $0x38;
	[tilespmem:$0x5170] =	vst v63  }
0x31: {  	_ =	swait.ge [sflag:s10], $0xD00  }
0x32: {  	[sflag:s10] =	ssyncset.done $0x0  }
0x33: {  	s5 =	simm.s32 @!p0 $0x1D60;
	[sflag:s10] =	ssyncadd.s32 $0xFFFFF300  }
0x34: {  	[spmem:s11] =	stream.linear.scatter @!p0 [tilespmem:s5], [sflag:$0xD], $0x100, $0x38;
	[tilespmem:$0x5170] =	vst v63  }
0x35: {  	s5 =	simm.s32 @!p0 $0xD  }
0x36: {  	_ =	swait.ge @!p0 [sflag:s5], $0x100  }
0x37: {  	[sflag:s5] =	ssyncset.done @!p0 $0x0  }
0x38: {  	[sflag:s5] =	ssyncadd.s32 @!p0 $0xFFFFFF00  }
0x39: {  	[bflag:$0x0] =	sbarrier.arrive $0xFFFF  }
0x3a: {  	s9 =	rddreg [dreg:$0x3]  }
0x3b: {  	s10 =	rddreg [dreg:$0x6];
	s5 =	sadd.s32 $0x0, s9  }
0x3c: {  	[tilespmem:s3], [sflag:$0x1] =	stream.strided.gather [hbm4b:s5+s14], $0xD0, s15, s14, $0x38;
	[tilespmem:$0x5170] =	vst v63  }
0x3d: {  	s11 =	rddreg [dreg:$0x5];
	s12 =	sadd.s32 $0x0, s10  }
0x3e: {  	[tilespmem:s16], [sflag:$0x2] =	stream.strided.gather [hbm4b:s12+s14], $0xD0, s15, s14, $0x38;
	[tilespmem:$0x5170] =	vst v63  }
0x3f: {  	s13 =	rddreg [dreg:$0x4];
	s10 =	sadd.s32 $0x0, s11  }
0x40: {  	[tilespmem:s17], [sflag:$0x3] =	stream.strided.gather [hbm4b:s10+s14], $0xD0, s15, s14, $0x38;
	[tilespmem:$0x5170] =	vst v63  }
0x41: {  	s11 =	sadd.s32 $0x0, s13  }
0x42: {  	[tilespmem:s18], [sflag:$0x4] =	stream.strided.gather [hbm4b:s11+s14], $0xD0, s15, s14, $0x38;
	[tilespmem:$0x5170] =	vst v63  }
0x43: {  	_ =	swait.ge [sflag:s19], $0xD0  }
0x44: {  	[sflag:s19] =	ssyncset.done $0x0  }
0x45: {  	[sflag:s19] =	ssyncadd.s32 $0xFFFFFF30  }
0x46: {  	[tilespmem:s20], [sflag:$0x5] =	stream.indirect.gather [hbm4b:s4+s14], $0x10, s3, s14, $0xb8;
	[tilespmem:$0x5170] =	vst v63  }
0x47: {  	_ =	swait.ge [sflag:s21], $0xD0  }
0x48: {  	[sflag:s21] =	ssyncset.done $0x0  }
0x49: {  	[sflag:s21] =	ssyncadd.s32 $0xFFFFFF30  }
0x4a: {  	[tilespmem:s22], [sflag:$0x6] =	stream.indirect.gather [hbm4b:s4+s14], $0x10, s16, s14, $0xb8;
	[tilespmem:$0x5170] =	vst v63  }
0x4b: {  	_ =	swait.ge [sflag:s26], $0xD0  }
0x4c: {  	[sflag:s26] =	ssyncset.done $0x0  }
0x4d: {  	[sflag:s26] =	ssyncadd.s32 $0xFFFFFF30  }
0x4e: {  	[tilespmem:s28], [sflag:$0x7] =	stream.indirect.gather [hbm4b:s4+s14], $0x10, s17, s14, $0xb8;
	[tilespmem:$0x5170] =	vst v63  }
0x4f: {  	_ =	swait.ge [sflag:s29], $0xD0  }
0x50: {  	[sflag:s29] =	ssyncset.done $0x0  }
0x51: {  	[sflag:s29] =	ssyncadd.s32 $0xFFFFFF30  }
0x52: {  	[tilespmem:s30], [sflag:$0x8] =	stream.indirect.gather [hbm4b:s4+s14], $0x10, s18, s14, $0xb8;
	[tilespmem:$0x5170] =	vst v63  }
0x53: {  	_ =	swait.ge [sflag:s31], $0x680  }
0x54: {  	[sflag:s31] =	ssyncset.done $0x0  }
0x55: {  	[sflag:s31] =	ssyncadd.s32 $0xFFFFF980  }
0x56: {  	[spmem:s2] =	stream.indirect.scatter.add.f32 [tilespmem:s20], [sflag:$0x9], $0x10, s14, s14, $0xb8;
	[tilespmem:$0x5170] =	vst v63  }
0x57: {  	_ =	swait.ge [sflag:s0], $0x680  }
0x58: {  	[sflag:s0] =	ssyncset.done $0x0  }
0x59: {  	s12 =	rddreg [dreg:$0x7];
	[sflag:s0] =	ssyncadd.s32 $0xFFFFF980  }
0x5a: {  	[spmem:s2] =	stream.indirect.scatter.add.f32 [tilespmem:s22], [sflag:$0xA], $0x10, s12, s14, $0xb8;
	[tilespmem:$0x5170] =	vst v63  }
0x5b: {  	_ =	swait.ge [sflag:s1], $0x680  }
0x5c: {  	[sflag:s1] =	ssyncset.done $0x0  }
0x5d: {  	s13 =	rddreg [dreg:$0x8];
	[sflag:s1] =	ssyncadd.s32 $0xFFFFF980  }
0x5e: {  	[spmem:s2] =	stream.indirect.scatter.add.f32 [tilespmem:s28], [sflag:$0xB], $0x10, s13, s14, $0xb8;
	[tilespmem:$0x5170] =	vst v63  }
0x5f: {  	_ =	swait.ge [sflag:s6], $0x680  }
0x60: {  	[sflag:s6] =	ssyncset.done $0x0  }
0x61: {  	[sflag:s6] =	ssyncadd.s32 $0xFFFFF980  }
0x62: {  	[spmem:s2] =	stream.indirect.scatter.add.f32 [tilespmem:s30], [sflag:$0xC], $0x10, s8, s14, $0xb8;
	[tilespmem:$0x5170] =	vst v63  }
0x63: {  	_ =	swait.ge [sflag:s7], $0x680  }
0x64: {  	[sflag:s7] =	ssyncset.done $0x0  }
0x65: {  	[sflag:s7] =	ssyncadd.s32 $0xFFFFF980  }
0x66: {  	_ =	swait.ge [sflag:s23], $0x680  }
0x67: {  	[sflag:s23] =	ssyncset.done $0x0  }
0x68: {  	[sflag:s23] =	ssyncadd.s32 $0xFFFFF980  }
0x69: {  	_ =	swait.ge [sflag:s24], $0x680  }
0x6a: {  	[sflag:s24] =	ssyncset.done $0x0  }
0x6b: {  	[sflag:s24] =	ssyncadd.s32 $0xFFFFF980  }
0x6c: {  	s9 =	simm.s32 $0x68;
	_ =	swait.ge [sflag:s25], $0x680  }
0x6d: {  	s5 =	simm.s32 $0x34;
	s10 =	rddreg [dreg:$0x3];
	[sflag:s25] =	ssyncset.done $0x0  }
.LBB2_4:
0x6e: {  	[sflag:s25] =	ssyncadd.s32 $0xFFFFF980;
	s12 =	rddreg [dreg:$0x6];
	s10 =	sadd.s32 s5, s10  }
0x6f: {  	[tilespmem:s3], [sflag:$0x1] =	stream.strided.gather [hbm4b:s10+s14], $0xD0, s15, s14, $0x38;
	[tilespmem:$0x5170] =	vst v63  }
0x70: {  	s13 =	rddreg [dreg:$0x5];
	s10 =	sadd.s32 s5, s12  }
0x71: {  	[tilespmem:s16], [sflag:$0x2] =	stream.strided.gather [hbm4b:s10+s14], $0xD0, s15, s14, $0x38;
	[tilespmem:$0x5170] =	vst v63  }
0x72: {  	s12 =	rddreg [dreg:$0x4];
	s13 =	sadd.s32 s5, s13  }
0x73: {  	[tilespmem:s17], [sflag:$0x3] =	stream.strided.gather [hbm4b:s13+s14], $0xD0, s15, s14, $0x38;
	[tilespmem:$0x5170] =	vst v63  }
0x74: {  	s13 =	sadd.s32 s5, s12  }
0x75: {  	[tilespmem:s18], [sflag:$0x4] =	stream.strided.gather [hbm4b:s13+s14], $0xD0, s15, s14, $0x38;
	[tilespmem:$0x5170] =	vst v63  }
0x76: {  	_ =	swait.ge [sflag:s19], $0xD0  }
0x77: {  	[sflag:s19] =	ssyncset.done $0x0  }
0x78: {  	[sflag:s19] =	ssyncadd.s32 $0xFFFFFF30  }
0x79: {  	[tilespmem:s20], [sflag:$0x5] =	stream.indirect.gather [hbm4b:s4+s14], $0x10, s3, s14, $0xb8;
	[tilespmem:$0x5170] =	vst v63  }
0x7a: {  	_ =	swait.ge [sflag:s21], $0xD0  }
0x7b: {  	[sflag:s21] =	ssyncset.done $0x0  }
0x7c: {  	[sflag:s21] =	ssyncadd.s32 $0xFFFFFF30  }
0x7d: {  	[tilespmem:s22], [sflag:$0x6] =	stream.indirect.gather [hbm4b:s4+s14], $0x10, s16, s14, $0xb8;
	[tilespmem:$0x5170] =	vst v63  }
0x7e: {  	_ =	swait.ge [sflag:s26], $0xD0  }
0x7f: {  	[sflag:s26] =	ssyncset.done $0x0  }
0x80: {  	[sflag:s26] =	ssyncadd.s32 $0xFFFFFF30  }
0x81: {  	[tilespmem:s28], [sflag:$0x7] =	stream.indirect.gather [hbm4b:s4+s14], $0x10, s17, s14, $0xb8;
	[tilespmem:$0x5170] =	vst v63  }
0x82: {  	_ =	swait.ge [sflag:s29], $0xD0  }
0x83: {  	[sflag:s29] =	ssyncset.done $0x0  }
0x84: {  	[sflag:s29] =	ssyncadd.s32 $0xFFFFFF30  }
0x85: {  	[tilespmem:s30], [sflag:$0x8] =	stream.indirect.gather [hbm4b:s4+s14], $0x10, s18, s14, $0xb8;
	[tilespmem:$0x5170] =	vst v63  }
0x86: {  	_ =	swait.ge [sflag:s31], $0x680  }
0x87: {  	[sflag:s31] =	ssyncset.done $0x0  }
0x88: {  	[sflag:s31] =	ssyncadd.s32 $0xFFFFF980  }
0x89: {  	[spmem:s2] =	stream.indirect.scatter.add.f32 [tilespmem:s20], [sflag:$0x9], $0x10, s14, s14, $0xb8;
	[tilespmem:$0x5170] =	vst v63  }
0x8a: {  	_ =	swait.ge [sflag:s0], $0x680  }
0x8b: {  	[sflag:s0] =	ssyncset.done $0x0  }
0x8c: {  	s12 =	rddreg [dreg:$0x7];
	[sflag:s0] =	ssyncadd.s32 $0xFFFFF980  }
0x8d: {  	[spmem:s2] =	stream.indirect.scatter.add.f32 [tilespmem:s22], [sflag:$0xA], $0x10, s12, s14, $0xb8;
	[tilespmem:$0x5170] =	vst v63  }
0x8e: {  	_ =	swait.ge [sflag:s1], $0x680  }
0x8f: {  	[sflag:s1] =	ssyncset.done $0x0  }
0x90: {  	s13 =	rddreg [dreg:$0x8];
	[sflag:s1] =	ssyncadd.s32 $0xFFFFF980  }
0x91: {  	[spmem:s2] =	stream.indirect.scatter.add.f32 [tilespmem:s28], [sflag:$0xB], $0x10, s13, s14, $0xb8;
	[tilespmem:$0x5170] =	vst v63  }
0x92: {  	_ =	swait.ge [sflag:s6], $0x680  }
0x93: {  	[sflag:s6] =	ssyncset.done $0x0  }
0x94: {  	[sflag:s6] =	ssyncadd.s32 $0xFFFFF980  }
0x95: {  	[spmem:s2] =	stream.indirect.scatter.add.f32 [tilespmem:s30], [sflag:$0xC], $0x10, s8, s14, $0xb8;
	[tilespmem:$0x5170] =	vst v63  }
0x96: {  	_ =	swait.ge [sflag:s7], $0x680  }
0x97: {  	[sflag:s7] =	ssyncset.done $0x0  }
0x98: {  	[sflag:s7] =	ssyncadd.s32 $0xFFFFF980  }
0x99: {  	_ =	swait.ge [sflag:s23], $0x680  }
0x9a: {  	[sflag:s23] =	ssyncset.done $0x0  }
0x9b: {  	p1 =	sne.s32 s9, $0x4AC;
	[sflag:s23] =	ssyncadd.s32 $0xFFFFF980  }
.Ltmp1:
0x9c: {  	_ =	swait.ge [sflag:s24], $0x680;
	(pc) =	sbr.rel @p1 .LBB2_4-.Ltmp1, $4  }
0x9d: {  	[sflag:s24] =	ssyncset.done $0x0  }
0x9e: {  	[sflag:s24] =	ssyncadd.s32 $0xFFFFF980  }
0x9f: {  	s11 =	smov.u32 s9;
	s9 =	sadd.s32 $0x34, s9;
	_ =	swait.ge [sflag:s25], $0x680  }
0xa0: {  	s5 =	smov.u32 s11;
	s10 =	rddreg [dreg:$0x3];
	[sflag:s25] =	ssyncset.done $0x0  }
0xa1: {  	s9 =	rddreg [dreg:$0x6];
	[sflag:s25] =	ssyncadd.s32 $0xFFFFF980;
	s10 =	sadd.s32 s5, s10  }
0xa2: {  	[tilespmem:s3], [sflag:$0x1] =	stream.strided.gather [hbm4b:s10+s14], $0xD0, s15, s14, $0x38;
	[tilespmem:$0x5170] =	vst v63  }
0xa3: {  	s13 =	rddreg [dreg:$0x5];
	s9 =	sadd.s32 s5, s9  }
0xa4: {  	[tilespmem:s16], [sflag:$0x2] =	stream.strided.gather [hbm4b:s9+s14], $0xD0, s15, s14, $0x38;
	[tilespmem:$0x5170] =	vst v63  }
0xa5: {  	s11 =	rddreg [dreg:$0x4];
	s10 =	sadd.s32 s5, s13  }
0xa6: {  	[tilespmem:s17], [sflag:$0x3] =	stream.strided.gather [hbm4b:s10+s14], $0xD0, s15, s14, $0x38;
	[tilespmem:$0x5170] =	vst v63  }
0xa7: {  	s12 =	sadd.s32 s5, s11  }
0xa8: {  	[tilespmem:s18], [sflag:$0x4] =	stream.strided.gather [hbm4b:s12+s14], $0xD0, s15, s14, $0x38;
	[tilespmem:$0x5170] =	vst v63  }
0xa9: {  	_ =	swait.ge [sflag:s19], $0xD0  }
0xaa: {  	[sflag:s19] =	ssyncset.done $0x0  }
0xab: {  	[sflag:s19] =	ssyncadd.s32 $0xFFFFFF30  }
0xac: {  	[tilespmem:s20], [sflag:$0x5] =	stream.indirect.gather [hbm4b:s4+s14], $0x10, s3, s14, $0xb8;
	[tilespmem:$0x5170] =	vst v63  }
0xad: {  	_ =	swait.ge [sflag:s21], $0xD0  }
0xae: {  	[sflag:s21] =	ssyncset.done $0x0  }
0xaf: {  	[sflag:s21] =	ssyncadd.s32 $0xFFFFFF30  }
0xb0: {  	[tilespmem:s22], [sflag:$0x6] =	stream.indirect.gather [hbm4b:s4+s14], $0x10, s16, s14, $0xb8;
	[tilespmem:$0x5170] =	vst v63  }
0xb1: {  	_ =	swait.ge [sflag:s26], $0xD0  }
0xb2: {  	[sflag:s26] =	ssyncset.done $0x0  }
0xb3: {  	[sflag:s26] =	ssyncadd.s32 $0xFFFFFF30  }
0xb4: {  	[tilespmem:s28], [sflag:$0x7] =	stream.indirect.gather [hbm4b:s4+s14], $0x10, s17, s14, $0xb8;
	[tilespmem:$0x5170] =	vst v63  }
0xb5: {  	_ =	swait.ge [sflag:s29], $0xD0  }
0xb6: {  	[sflag:s29] =	ssyncset.done $0x0  }
0xb7: {  	[sflag:s29] =	ssyncadd.s32 $0xFFFFFF30  }
0xb8: {  	[tilespmem:s30], [sflag:$0x8] =	stream.indirect.gather [hbm4b:s4+s14], $0x10, s18, s14, $0xb8;
	[tilespmem:$0x5170] =	vst v63  }
0xb9: {  	_ =	swait.ge [sflag:s31], $0x680  }
0xba: {  	[sflag:s31] =	ssyncset.done $0x0  }
0xbb: {  	[sflag:s31] =	ssyncadd.s32 $0xFFFFF980  }
0xbc: {  	[spmem:s2] =	stream.indirect.scatter.add.f32 [tilespmem:s20], [sflag:$0x9], $0x10, s14, s14, $0xb8;
	[tilespmem:$0x5170] =	vst v63  }
0xbd: {  	_ =	swait.ge [sflag:s0], $0x680  }
0xbe: {  	[sflag:s0] =	ssyncset.done $0x0  }
0xbf: {  	s13 =	rddreg [dreg:$0x7];
	[sflag:s0] =	ssyncadd.s32 $0xFFFFF980  }
0xc0: {  	[spmem:s2] =	stream.indirect.scatter.add.f32 [tilespmem:s22], [sflag:$0xA], $0x10, s13, s14, $0xb8;
	[tilespmem:$0x5170] =	vst v63  }
0xc1: {  	_ =	swait.ge [sflag:s1], $0x680  }
0xc2: {  	[sflag:s1] =	ssyncset.done $0x0  }
0xc3: {  	s9 =	rddreg [dreg:$0x8];
	[sflag:s1] =	ssyncadd.s32 $0xFFFFF980  }
0xc4: {  	[spmem:s2] =	stream.indirect.scatter.add.f32 [tilespmem:s28], [sflag:$0xB], $0x10, s9, s14, $0xb8;
	[tilespmem:$0x5170] =	vst v63  }
0xc5: {  	_ =	swait.ge [sflag:s6], $0x680  }
0xc6: {  	[sflag:s6] =	ssyncset.done $0x0  }
0xc7: {  	[sflag:s6] =	ssyncadd.s32 $0xFFFFF980  }
0xc8: {  	[spmem:s2] =	stream.indirect.scatter.add.f32 [tilespmem:s30], [sflag:$0xC], $0x10, s8, s14, $0xb8;
	[tilespmem:$0x5170] =	vst v63  }
0xc9: {  	_ =	swait.ge [sflag:s7], $0x680  }
0xca: {  	[sflag:s7] =	ssyncset.done $0x0  }
0xcb: {  	[sflag:s7] =	ssyncadd.s32 $0xFFFFF980  }
0xcc: {  	_ =	swait.ge [sflag:s23], $0x680  }
0xcd: {  	[sflag:s23] =	ssyncset.done $0x0  }
0xce: {  	[sflag:s23] =	ssyncadd.s32 $0xFFFFF980  }
0xcf: {  	_ =	swait.ge [sflag:s24], $0x680  }
0xd0: {  	[sflag:s24] =	ssyncset.done $0x0  }
0xd1: {  	[sflag:s24] =	ssyncadd.s32 $0xFFFFF980  }
0xd2: {  	_ =	swait.ge [sflag:s25], $0x680  }
0xd3: {  	s11 =	simm.s32 $0x1D40;
	[sflag:s25] =	ssyncset.done $0x0  }
0xd4: {  	s12 =	simm.s32 $0x10;
	s10 =	rddreg [dreg:$0xa];
	[sflag:s25] =	ssyncadd.s32 $0xFFFFF980  }
0xd5: {  	[tilespmem:s11], [sflag:$0xD] =	stream.strided.gather [hbm4b:s10+s12], $0x20, s15, s12, $0x38;
	[tilespmem:$0x5170] =	vst v63  }
0xd6: {  	s10 =	simm.s32 $0xD  }
0xd7: {  	_ =	swait.ge [sflag:s10], $0x20  }
0xd8: {  	[sflag:s10] =	ssyncset.done $0x0  }
0xd9: {  	[sflag:s10] =	ssyncadd.s32 $0xFFFFFFE0  }
0xda: {  	[tilespmem:s20], [sflag:$0x5] =	stream.indirect.gather [hbm4b:s4+s12], $0x10, s11, s12, $0xb8;
	[tilespmem:$0x5170] =	vst v63  }
0xdb: {  	_ =	swait.ge [sflag:s31], $0x100  }
0xdc: {  	[sflag:s31] =	ssyncset.done $0x0  }
0xdd: {  	s13 =	simm.s32 $0x1D50;
	[sflag:s31] =	ssyncadd.s32 $0xFFFFFF00  }
0xde: {  	[spmem:s2] =	stream.indirect.scatter.add.f32 [tilespmem:s20], [sflag:$0xD], $0x10, s13, s12, $0xb8;
	[tilespmem:$0x5170] =	vst v63  }
0xdf: {  	_ =	swait.ge [sflag:s10], $0x100  }
0xe0: {  	[sflag:s10] =	ssyncset.done $0x0  }
0xe1: {  	[sflag:s10] =	ssyncadd.s32 $0xFFFFFF00  }
0xe2: {  	s9 =	stileid.u32;
	[bflag:$0x0] =	sbarrier.arrive $0xFFFF  }
0xe3: {  	s5 =	sshll.u32 s9, $0x6;
	s13 =	rddreg [dreg:$0xd]  }
0xe4: {  	s5 =	sor.u32 $0x1C0D, s5;
	s12 =	rddreg [dreg:$0x10];
	s11 =	sshrl.u32 s13, $0x3  }
0xe5: {  	[hbm:s12], [sflag:s5] =	dma.local [spmem:s11], $0x1A0  }
0xe6: {  	_ =	swait.ge [sflag:s10], $0x1A0  }
0xe7: {  	[sflag:s10] =	ssyncset.done $0x0;
	s11 =	rddreg [dreg:$0xe]  }
0xe8: {  	s12 =	rddreg [dreg:$0x11];
	[sflag:s10] =	ssyncadd.s32 $0xFFFFFE60;
	s9 =	sshrl.u32 s11, $0x3  }
0xe9: {  	[hbm:s12], [sflag:s5] =	dma.local [spmem:s9], $0x1A0  }
0xea: {  	_ =	swait.ge [sflag:s10], $0x1A0  }
0xeb: {  	[sflag:s10] =	ssyncset.done $0x0;
	s11 =	rddreg [dreg:$0xf]  }
0xec: {  	s12 =	rddreg [dreg:$0x12];
	[sflag:s10] =	ssyncadd.s32 $0xFFFFFE60;
	s9 =	sshrl.u32 s11, $0x3  }
0xed: {  	[hbm:s12], [sflag:s5] =	dma.local [spmem:s9], $0x1A0  }
0xee: {  	_ =	swait.ge [sflag:s10], $0x1A0  }
0xef: {  	[sflag:s10] =	ssyncset.done $0x0;
	s5 =	rddreg [dreg:$0xb]  }
0xf0: {  	s11 =	rddreg [dreg:$0x9];
	[sflag:s10] =	ssyncadd.s32 $0xFFFFFE60  }
0xf1: {  	s5 =	sadd.s32 @!p0 $0x4E00, s5;
	s9 =	sshrl.u32 @!p0 s11, $0x3;
	s10 =	simm.s32 @!p0 $0x1FCD  }
0xf2: {  	[hbm:s5], [sflag:s10] =	dma.local @!p0 [spmem:s9], $0x20  }
0xf3: {  	s5 =	simm.s32 @!p0 $0xD  }
0xf4: {  	_ =	swait.ge @!p0 [sflag:s5], $0x20  }
0xf5: {  	s9 =	rddreg [dreg:$0x13]  }
0xf6: {  	s12 =	rddreg [dreg:$0xc];
	s10 =	sadd.s32 $0x1, s9  }
0xf7: {  	p1 =	sne.s32 s10, s12  }
.Ltmp2:
0xf8: {  	_ = 	snop;
	(pc) =	sbr.rel @p1 .LBB2_1-.Ltmp2, $3  }
0xf9: {  	_ =	sdelay $0x1  }
0xfa: {  	[sflag:s5] =	ssyncset.done @!p0 $0x0  }
0xfb: {  	[sflag:s5] =	ssyncadd.s32 @!p0 $0xFFFFFFE0  }
0xfc: {  	_ =	sfence.sel $0x180000  }
0xfd: {  	[bflag:$0x0] =	sbarrier.arrive $0xFFFF  }
0xfe: {  	_ =	strace $0x9000004A  }
0xff: {  	s0 =	stileid.u32;
	[bflag:$0x2] =	sbarrier.arrive $0xFFFF  }
0x100: {  	p0 =	sne.s32 s0, $0x0;
	s0 =	rddreg [dreg:$0x2]  }
0x101: {  	s0 =	sadd.s32 @!p0 $0x100000, s0  }
0x102: {  	[sflag:s0] =	ssyncadd.tile.s32 @!p0 $0x1;
	_ =	shalt  }
.Lfunc_end2:
_tile_overlayer_lowered:
.L_overlay_start_2:
0x103: {  	(tag) =	ssettag $0x2  }
0x104: {  	s0 =	rddreg [dreg:$0x0];
	s2 =	stileid.u32  }
0x105: {  	s1 =	rddreg [dreg:$0x1];
	p0 =	sne.s32 s2, $0x0  }
0x106: {  	s3 =	rddreg [dreg:$0x2];
	[bflag:$0x3] =	sbarrier.arrive $0xFFFF;
	s2 =	simm.s32 @!p0 $0x1C0D  }
0x107: {  	[timem:s3], [sflag:s2] =	dma.local @!p0 [hbm:s0], s1  }
0x108: {  	s0 =	simm.s32 @!p0 $0xD  }
0x109: {  	_ =	swait.ge @!p0 [sflag:s0], s1  }
0x10a: {  	s1 =	ssub.s32 @!p0 $0x0, s1;
	[sflag:s0] =	ssyncset.done @!p0 $0x0  }
0x10b: {  	[sflag:s0] =	ssyncadd.s32 @!p0 s1  }
0x10c: {  	[bflag:$0x3] =	sbarrier.arrive $0xFFFF  }
0x10d: {  	_ =	shalt  }

// kernel: kernel.7.cloned.1.call-start
scs
__scs_entry_jumppad:
0x0: {  	(pc) =	sbr.rel $0x88, $3  }
0x1: {  	(tag) =	ssettag $0x0;
	lr =	simm.s32 $0x1  }
0x2: {  	[smem:$0x3F99] =	sst lr;
	_ =	strace $0xD0000000  }
0x3: {  	_ = 	snop  }
0x4: {  	_ = 	snop  }
0x5: {  	_ = 	snop  }
0x6: {  	_ = 	snop  }
0x7: {  	_ = 	snop  }
__scs_overlays_trampoline_lowered:
0x8: {  	[smem:$0x3FA8] =	sst s0  }
0x9: {  	[smem:$0x3FA9] =	sst s1  }
0xa: {  	[smem:$0x3FAA] =	sst s2  }
0xb: {  	[smem:$0x3FAB] =	sst s3  }
0xc: {  	[smem:$0x3FAC] =	sst s4  }
0xd: {  	[smem:$0x3FAD] =	sst s5  }
0xe: {  	[smem:$0x3FAE] =	sst s6  }
0xf: {  	[smem:$0x3FAF] =	sst s7  }
0x10: {  	[smem:$0x3FB0] =	sst s8  }
0x11: {  	[smem:$0x3FB1] =	sst s9;
	s0 =	simm.s32 @!p0 $0x0  }
0x12: {  	s1 =	sld [smem:$0x3F97];
	s0 =	simm.s32 @p0 $0x1  }
0x13: {  	[smem:$0x3FB2] =	sst s0;
	s0 =	simm.s32 @!p1 $0x0  }
0x14: {  	s2 =	sld [smem:$0x3F96];
	s0 =	simm.s32 @p1 $0x1  }
0x15: {  	[smem:$0x3FB3] =	sst s0;
	s0 =	simm.s32 @!p2 $0x0  }
0x16: {  	s3 =	sld [smem:$0x3FDB];
	s0 =	simm.s32 @p2 $0x1  }
0x17: {  	s4 =	simm.s32 $0x1BF5;
	[smem:$0x3FB5] =	sst s0  }
0x18: {  	s0 =	sld [smem:$0x3F98];
	_ =	swait.ge [sflag:s4], $0x0  }
0x19: {  	s7 =	sld [smem:$0x3F99]  }
0x1a: {  	s8 =	sadd.s32 $0xFFFFE003, lr  }
0x1b: {  	s9 =	sadd.s32 $0xFFFFFEF7, lr;
	s5 =	simm.s32 $0xFFFFFFFF;
	p2 =	slt.u32 s8, $0xFFFFF086  }
0x1c: {  	p1 =	slt.u32 s9, $0xF7A;
	s5 =	simm.s32 @!p2 $0x0  }
0x1d: {  	s5 =	simm.s32 @p1 $0x1;
	p0 =	seq.s32 s7, s2  }
0x1e: {  	s7 =	smul.u32 @!p0 $0xF7A, s2;
	p2 =	seq.s32 @!p0 s5, $0x0  }
0x1f: {  	s9 =	smul.u32 $0xF7A, s1;
	s8 =	simm.s32 @!p0 $0x1BF5;
	p2 =	por !p2, p0  }
0x20: {  	[sflag:s8] =	ssyncset.s32 @!p0 $0xFFFFF086;
	s6 =	sadd.s32 @!p0 s3, s7;
	s7 =	simm.s32 @!p0 $0x108  }
0x21: {  	s3 =	sadd.s32 s3, s9;
	s6 =	sadd.s32 @!p0 $0x88, s6;
	s7 =	simm.s32 @p2 $0x1082  }
0x22: {  	[simem:s7], [sflag:s8] =	dma.local @!p0 [hbm:s6], $0xF7A  }
0x23: {  	s9 =	sor.u32 $0xD0000000, s2;
	s6 =	simm.s32 $0x108;
	_ =	swait.ge @!p0 [sflag:s8], $0x0  }
0x24: {  	s3 =	sadd.s32 $0x88, s3;
	s6 =	simm.s32 @!p1 $0x1082;
	[sflag:s4] =	ssyncset.s32 $0xFFFFF086  }
0x25: {  	[simem:s6], [sflag:s4] =	dma.local [hbm:s3], $0xF7A  }
0x26: {  	[smem:$0x3F99] =	sst s1;
	(tag) =	ssettag s2;
	_ =	strace s9  }
0x27: {  	s1 =	sld [smem:$0x3FA9]  }
0x28: {  	s2 =	sld [smem:$0x3FAA]  }
0x29: {  	s4 =	sld [smem:$0x3FAC]  }
0x2a: {  	p0 =	seq.s32 s5, $0x0;
	s5 =	sld [smem:$0x3FAD]  }
0x2b: {  	s6 =	sld [smem:$0x3FAE]  }
0x2c: {  	s7 =	sld [smem:$0x3FAF]  }
0x2d: {  	s3 =	simm.s32 $0x108;
	s8 =	sld [smem:$0x3FB0]  }
0x2e: {  	s3 =	simm.s32 @!p0 $0x1082;
	s9 =	sld [smem:$0x3FB1]  }
0x2f: {  	lr =	sadd.s32 s0, s3;
	s0 =	sld [smem:$0x3FA8]  }
0x30: {  	s3 =	sld [smem:$0x3FAB]  }
0x31: {  	[smem:$0x3FB4] =	sst s10  }
0x32: {  	s10 =	sld [smem:$0x3FB2];
	_ =	sdelay $0x3  }
0x33: {  	p0 =	seq.s32 s10, $0x1;
	s10 =	sld [smem:$0x3FB4];
	_ =	sdelay $0x3  }
0x34: {  	[smem:$0x3FB4] =	sst s10  }
0x35: {  	s10 =	sld [smem:$0x3FB3];
	_ =	sdelay $0x3  }
0x36: {  	p1 =	seq.s32 s10, $0x1;
	s10 =	sld [smem:$0x3FB4];
	_ =	sdelay $0x3  }
0x37: {  	[smem:$0x3FB4] =	sst s10  }
0x38: {  	s10 =	sld [smem:$0x3FB5]  }
0x39: {  	_ = 	snop;
	(pc) =	sbr.ind lr, $3  }
0x3a: {  	_ = 	snop  }
0x3b: {  	_ = 	snop  }
0x3c: {  	p2 =	seq.s32 s10, $0x1;
	s10 =	sld [smem:$0x3FB4]  }
0x3d: {  	_ =	shalt  }
0x3e: {  	_ =	shalt  }
0x3f: {  	_ =	shalt  }
0x40: {  	_ =	shalt  }
0x41: {  	_ =	shalt  }
0x42: {  	_ =	shalt  }
0x43: {  	_ =	shalt  }
0x44: {  	_ =	shalt  }
0x45: {  	_ =	shalt  }
0x46: {  	_ =	shalt  }
0x47: {  	_ =	shalt  }
0x48: {  	_ =	shalt  }
0x49: {  	_ =	shalt  }
0x4a: {  	_ =	shalt  }
0x4b: {  	_ =	shalt  }
0x4c: {  	_ =	shalt  }
0x4d: {  	_ =	shalt  }
0x4e: {  	_ =	shalt  }
0x4f: {  	_ =	shalt  }
0x50: {  	_ =	shalt  }
0x51: {  	_ =	shalt  }
0x52: {  	_ =	shalt  }
0x53: {  	_ =	shalt  }
0x54: {  	_ =	shalt  }
0x55: {  	_ =	shalt  }
0x56: {  	_ =	shalt  }
0x57: {  	_ =	shalt  }
0x58: {  	_ =	shalt  }
0x59: {  	_ =	shalt  }
0x5a: {  	_ =	shalt  }
0x5b: {  	_ =	shalt  }
0x5c: {  	_ =	shalt  }
0x5d: {  	_ =	shalt  }
0x5e: {  	_ =	shalt  }
0x5f: {  	_ =	shalt  }
0x60: {  	_ =	shalt  }
0x61: {  	_ =	shalt  }
0x62: {  	_ =	shalt  }
0x63: {  	_ =	shalt  }
0x64: {  	_ =	shalt  }
0x65: {  	_ =	shalt  }
0x66: {  	_ =	shalt  }
0x67: {  	_ =	shalt  }
0x68: {  	_ =	shalt  }
0x69: {  	_ =	shalt  }
0x6a: {  	_ =	shalt  }
0x6b: {  	_ =	shalt  }
0x6c: {  	_ =	shalt  }
0x6d: {  	_ =	shalt  }
0x6e: {  	_ =	shalt  }
0x6f: {  	_ =	shalt  }
0x70: {  	_ =	shalt  }
0x71: {  	_ =	shalt  }
0x72: {  	_ =	shalt  }
0x73: {  	_ =	shalt  }
0x74: {  	_ =	shalt  }
0x75: {  	_ =	shalt  }
0x76: {  	_ =	shalt  }
0x77: {  	_ =	shalt  }
0x78: {  	_ =	shalt  }
0x79: {  	_ =	shalt  }
0x7a: {  	_ =	shalt  }
0x7b: {  	_ =	shalt  }
0x7c: {  	_ =	shalt  }
0x7d: {  	_ =	shalt  }
0x7e: {  	_ =	shalt  }
0x7f: {  	_ =	shalt  }
0x80: {  	_ =	shalt  }
0x81: {  	_ =	shalt  }
0x82: {  	_ =	shalt  }
0x83: {  	_ =	shalt  }
0x84: {  	_ =	shalt  }
0x85: {  	_ =	shalt  }
0x86: {  	_ =	shalt  }
0x87: {  	_ =	shalt  }
.Lfunc_end0:
.L_simem_size_0:
called_computation_lowered:
.L_overlay_start_0:
0x88: {  	s2 =	sld [smem:$0x3FD9]  }
0x89: {  	s3 =	sld [smem:$0x3FFE];
	_ =	sdelay $0x1  }
0x8a: {  	s1 =	srdreg.scid  }
0x8b: {  	s0 =	sand.u32 $0x1, s1  }
0x8c: {  	s16 =	sshll.u32 s0, $0xA;
	s2 =	sadd.s32 s3, s2  }
0x8d: {  	s2 =	sadd.s32 s2, s16  }
0x8e: {  	[smem:$0x3FC0] =	sst s2  }
0x8f: {  	_ = 	snop  }
0x90: {  	(tm) =	ssettm $0x1  }
0x91: {  	s17 =	sld [smem:$0x3FFB];
	_ =	sdelay $0x3  }
0x92: {  	_ =	strace s17  }
0x93: {  	s2 =	sld [smem:$0x3FFC];
	_ =	sdelay $0x3  }
0x94: {  	_ =	strace s2  }
0x95: {  	s2 =	sld [smem:$0x3FFD];
	_ =	sdelay $0x3  }
0x96: {  	_ =	strace s2  }
0x97: {  	_ =	strace $0x8FFFFFFF  }
0x98: {  	s18 =	sld [smem:$0x3FDB];
	_ =	sdelay $0x1  }
0x99: {  	s19 =	simm.s32 $_scs_section_size  }
0x9a: {  	s4 =	simm.s32 $_size__tile_overlayer_lowered;
	s5 =	simm.s32 $_tile_overlayer_lowered  }
0x9b: {  	s22 =	simm.s32 $0x1BFF;
	s21 =	sshll.u32 s5, $0x1;
	s2 =	sadd.s32 s19, s18  }
0x9c: {  	s6 =	simm.s32 $0x0;
	s20 =	sshll.u32 s4, $0x1;
	s4 =	sadd.s32 s21, s2  }
0x9d: {  	[timem:s6], [sflag:s22] =	dma.local [hbm:s4], s20  }
0x9e: {  	_ =	swait.ge [sflag:s22], s20  }
0x9f: {  	s3 =	ssub.s32 $0x0, s20;
	[sflag:s22] =	ssyncset.done $0x0  }
0xa0: {  	[sflag:s22] =	ssyncadd.s32 s3;
	_ =	sdelay $0x1  }
0xa1: {  	s23 =	simm.s32 $0x1B8B  }
0xa2: {  	_ =	swait.ge [sflag:s23], $0x1  }
0xa3: {  	[sflag:s23] =	ssyncset.done $0x0  }
0xa4: {  	s25 =	simm.s32 $0x1B8E;
	s24 =	sld [smem:$0x3FFE];
	[sflag:s23] =	ssyncadd.s32 $0xFFFFFFFF  }
0xa5: {  	s26 =	simm.s32 $execute0_lowered;
	[smem:$0x3FD2] =	sst s25  }
0xa6: {  	s4 =	sshll.u32 s26, $0x1;
	_ =	strace $0x80000046;
	[dreg:$0x1] =	wrdreg $0xFFFFFFFF  }
0xa7: {  	s28 =	simm.s32 $_size_execute0_lowered;
	s2 =	sadd.s32 s2, s4;
	[dreg:$0x0] =	wrdreg $0x0  }
0xa8: {  	s4 =	sshll.u32 s28, $0x1;
	[dreg:$0x2] =	wrdreg s2  }
0xa9: {  	[dreg:$0x3] =	wrdreg s4  }
0xaa: {  	[dreg:$0x4] =	wrdreg $0xC0  }
0xab: {  	_ =	task [dreg:s6], $0x5FFFF  }
0xac: {  	[dreg:$0x1] =	wrdreg $0xFFFFFFFF  }
0xad: {  	[dreg:$0x0] =	wrdreg $0x60  }
0xae: {  	[dreg:$0x2] =	wrdreg s24  }
0xaf: {  	[dreg:$0x3] =	wrdreg $0xC6600  }
0xb0: {  	[dreg:$0x4] =	wrdreg $0x9  }
0xb1: {  	_ =	task.clear_ibuf [dreg:s6], $0x5FFFF;
	_ =	strace $0x90000046  }
0xb2: {  	s29 =	simm.s32 $0x9;
	_ =	strace $0x80000048  }
0xb3: {  	_ =	swait.ge [sflag:s29], $0x1  }
0xb4: {  	[sflag:s29] =	ssyncadd.s32 $0xFFFFFFFF  }
0xb5: {  	_ =	strace $0x90000048  }
0xb6: {  	_ =	sfence  }
0xb7: {  	s30 =	sld [smem:$0x0];
	_ =	sdelay $0x2  }
0xb8: {  	s31 =	sshll.u32 s1, $0xD;
	s1 =	sshrl.u32 s1, $0x2  }
0xb9: {  	s3 =	sand.u32 $0x4000, s31;
	s1 =	sadd.s32 s1, s30  }
0xba: {  	s0 =	sor.u32 s3, s0;
	s1 =	sshll.u32 s1, $0x11  }
0xbb: {  	s0 =	sor.u32 s1, s0  }
0xbc: {  	s0 =	sadd.s32 $0x8F2B, s0  }
0xbd: {  	[sflag:s0] =	ssyncadd.remote.s32 $0x1  }
0xbe: {  	_ =	sfence.sel $0xFFFF  }
0xbf: {  	[dreg:$0x0] =	wrdreg $0xFFFFFFFF;
	(pc) =	sbr.abs _section_cstart, $3  }
0xc0: {  	[dreg:$0x1] =	wrdreg $0xFFFFFFFF  }
0xc1: {  	_ =	task.clear_ibuf [dreg:s6], $0x2FFFF;
	_ =	strace $0x9FFFFFFF  }
0xc2: {  	(tm) =	ssettm $0x7FFFFFFF  }
0xc3: {  	_ =	shalt  }
tec
execute0_lowered:
.L_overlay_start_1:
0x0: {  	(tag) =	ssettag $0x1  }
0x1: {  	s0 =	rddreg [dreg:$0x0]  }
0x2: {  	s2 =	rddreg [dreg:$0x1];
	s3 =	simm.s32 $0x0  }
0x3: {  	s1 =	srdreg.scid;
	s12 =	stileid.u32;
	s28 =	simm.s32 $0x2  }
0x4: {  	s29 =	simm.s32 $0x23C0;
	s30 =	simm.s32 $0x3;
	s10 =	smul.u32 $0x270, s12  }
0x5: {  	s31 =	simm.s32 $0x4440;
	[smem:$0x7FF] =	sst s3;
	s24 =	smul.u32 $0x30C00, s12  }
0x6: {  	s1 =	sand.u32 $0x1, s1;
	s4 =	sshll.u32 s12, $0x1;
	s14 =	smul.u32 $0xC300, s12  }
0x7: {  	s8 =	sadd.s32 $0x2200, s0;
	s25 =	sadd.s32 $0xC3000, s2;
	s15 =	smul.u32 $0x4E20, s12  }
0x8: {  	p0 =	sne.s32 s12, $0xF;
	s12 =	simm.s32 $0x0;
	_ =	strace $0x80000047  }
0x9: {  	s5 =	smul.u32 $0x186A0, s1;
	s6 =	sor.u32 s1, s4;
	s4 =	sadd.s32 $0x3CE00, s0  }
0xa: {  	s7 =	ssub.s32 $0x2, s1;
	s1 =	smul.u32 $0x2710, s1;
	[dreg:$0x9] =	wrdreg s25  }
0xb: {  	s6 =	smul.u32 $0x2710, s6;
	s9 =	sshrl.u32 s7, $0x1;
	s26 =	sadd.s32 $0xD0, s10  }
0xc: {  	s11 =	sshrl.u32 s24, $0x2;
	s17 =	sadd.s32 $0x20800, s24;
	s20 =	sshrl.u32 s14, $0x3  }
0xd: {  	s21 =	sadd.s32 s14, s2;
	s0 =	sadd.s32 s5, s0;
	s10 =	smul.u32 $0x140, s26  }
0xe: {  	s23 =	ssub.s32 s7, s9;
	s18 =	sshrl.u32 s17, $0x2;
	s19 =	smul.u32 $0x50, s26  }
0xf: {  	s17 =	simm.s32 $0x1A0;
	s21 =	sshrl.u32 s21, $0x3;
	s6 =	sshrl.u32 s6, $0x3  }
0x10: {  	s13 =	sadd.s32 $0x55600, s0;
	s5 =	smax.u32 s23, $0x1;
	[dreg:$0x11] =	wrdreg s21  }
0x11: {  	s0 =	sadd.s32 s11, s2;
	s21 =	simm.s32 $0xB;
	[dreg:$0xc] =	wrdreg s5  }
0x12: {  	s6 =	sadd.s32 s8, s6;
	[dreg:$0xd] =	wrdreg s0;
	s16 =	sshrl.u32 s10, $0x2  }
0x13: {  	s0 =	sadd.s32 s1, s15;
	s7 =	sshrl.u32 s19, $0x3;
	s10 =	sadd.s32 $0x8200, s14  }
0x14: {  	s14 =	simm.s32 $0x68;
	s15 =	simm.s32 $0x4E200;
	s20 =	sadd.s32 s20, s13  }
0x15: {  	[dreg:$0xb] =	wrdreg s13;
	s1 =	simm.s32 $0x64C0;
	s6 =	sadd.s32 $0x4E0, s6  }
0x16: {  	s5 =	sadd.s32 s16, s2;
	s22 =	sshrl.u32 s0, $0x3;
	s11 =	sadd.s32 $0x138, s0  }
0x17: {  	s24 =	sadd.s32 $0xD0, s0;
	s0 =	sadd.s32 $0x68, s0;
	[dreg:$0x10] =	wrdreg s20  }
0x18: {  	s16 =	simm.s32 $0xD0;
	s20 =	simm.s32 $0xA;
	[dreg:$0xa] =	wrdreg s6  }
0x19: {  	[dreg:$0xe] =	wrdreg s5;
	s5 =	sadd.s32 s18, s2;
	s6 =	sadd.s32 s19, s2  }
0x1a: {  	s9 =	sadd.s32 s22, s8;
	s23 =	sshrl.u32 s11, $0x3;
	s11 =	sshrl.u32 s24, $0x3  }
0x1b: {  	s0 =	sshrl.u32 s0, $0x3;
	s18 =	simm.s32 $0x138;
	[dreg:$0xf] =	wrdreg s5  }
0x1c: {  	s19 =	simm.s32 $0x208;
	s22 =	sadd.s32 s7, s13;
	[dreg:$0x3] =	wrdreg s9  }
0x1d: {  	s7 =	simm.s32 $0x9;
	s9 =	sadd.s32 s23, s8;
	[dreg:$0x7] =	wrdreg s18  }
0x1e: {  	s26 =	sadd.s32 s11, s8;
	s0 =	sadd.s32 s0, s8;
	[dreg:$0x8] =	wrdreg s19  }
0x1f: {  	s11 =	sadd.s32 s10, s2;
	s18 =	simm.s32 $0x270;
	[dreg:$0x12] =	wrdreg s22  }
0x20: {  	s19 =	simm.s32 $0x1;
	s23 =	sshrl.u32 s6, $0x3;
	[dreg:$0x4] =	wrdreg s9  }
0x21: {  	s6 =	simm.s32 $0x5;
	s8 =	simm.s32 $0x6;
	[dreg:$0x5] =	wrdreg s26  }
0x22: {  	s22 =	simm.s32 $0xC;
	s9 =	sshrl.u32 s10, $0x3;
	[dreg:$0x6] =	wrdreg s0  }
0x23: {  	[dreg:$0x13] =	wrdreg s23;
	s26 =	sshrl.u32 s11, $0x3;
	s0 =	simm.s32 $0x4  }
0x24: {  	s10 =	simm.s32 $0x8;
	s24 =	sadd.s32 s9, s13;
	[dreg:$0x15] =	wrdreg s26  }
0x25: {  	v0 =	vimm.f32 $0.0e+00;
	s26 =	simm.s32 $0x340;
	s9 =	simm.s32 $0x7;
	[dreg:$0x14] =	wrdreg s24  }
.LBB2_1:
0x26: {  	s5 =	smul.u32 $0xCCCD, s3;
	_ =	sdelay $0x1  }
0x27: {  	[dreg:$0x16] =	wrdreg s12;
	s24 =	sshrl.u32 s5, $0x12  }
0x28: {  	s12 =	simm.s32 $0x1;
	s23 =	simm.s32 $0x0;
	s5 =	smul.u32 $0x5, s24  }
.LBB2_2:
0x29: {  	s25 =	smul.u32 $0xCCCD, s12;
	s13 =	smov.u32 s12  }
0x2a: {  	p1 =	sne.s32 s12, $0x40F;
	s5 =	ssub.s32 s23, s5;
	s23 =	smul.u32 $0x140, s24  }
.Ltmp0:
0x2b: {  	(pc) =	sbr.rel @p1 .LBB2_2-.Ltmp0, $4  }
0x2c: {  	s12 =	sadd.s32 $0x1, s12;
	s5 =	sand.u32 $0xFFFF, s5  }
0x2d: {  	s11 =	sshrl.u32 s23, $0x2;
	s5 =	sshll.u32 s5, $0x4;
	s23 =	smov.u32 s13  }
0x2e: {  	s24 =	sshrl.u32 s25, $0x12;
	s11 =	sadd.s32 s5, s11  }
0x2f: {  	s5 =	smul.u32 $0x5, s24;
	[tilespmem:s11+$0x8560] =	vst v0  }
0x30: {  	_ = 	snop  }
0x31: {  	s11 =	smul.u32 $0x140, s24;
	s5 =	ssub.s32 s23, s5  }
0x32: {  	s5 =	sand.u32 $0xFFFF, s5  }
0x33: {  	s11 =	sshrl.u32 s11, $0x2;
	s5 =	sshll.u32 s5, $0x4  }
0x34: {  	s5 =	sadd.s32 s5, s11  }
0x35: {  	s13 =	rddreg [dreg:$0xd];
	s12 =	simm.s32 $0xD;
	s23 =	simm.s32 $0x8560;
	[tilespmem:s5+$0x8560] =	vst v0  }
0x36: {  	[spmem:s13] =	stream.linear.scatter [tilespmem:s23], [sflag:$0xD], $0x4100, $0x38;
	[tilespmem:$0x189B0] =	vst v63  }
0x37: {  	_ =	swait.ge [sflag:s12], $0x4100  }
0x38: {  	[sflag:s12] =	ssyncset.done $0x0  }
0x39: {  	s24 =	rddreg [dreg:$0xe];
	[sflag:s12] =	ssyncadd.s32 $0xFFFFBF00  }
0x3a: {  	[spmem:s24] =	stream.linear.scatter [tilespmem:s23], [sflag:$0xD], $0x4100, $0x38;
	[tilespmem:$0x189B0] =	vst v63  }
0x3b: {  	_ =	swait.ge [sflag:s12], $0x4100  }
0x3c: {  	[sflag:s12] =	ssyncset.done $0x0  }
0x3d: {  	s25 =	rddreg [dreg:$0xf];
	[sflag:s12] =	ssyncadd.s32 $0xFFFFBF00  }
0x3e: {  	[spmem:s25] =	stream.linear.scatter [tilespmem:s23], [sflag:$0xD], $0x4100, $0x38;
	[tilespmem:$0x189B0] =	vst v63  }
0x3f: {  	_ =	swait.ge [sflag:s12], $0x4100  }
0x40: {  	[sflag:s12] =	ssyncset.done $0x0  }
0x41: {  	s5 =	simm.s32 @!p0 $0x8560;
	s25 =	rddreg [dreg:$0x9];
	[sflag:s12] =	ssyncadd.s32 $0xFFFFBF00  }
0x42: {  	[spmem:s25] =	stream.linear.scatter @!p0 [tilespmem:s5], [sflag:$0xD], $0x500, $0x38;
	[tilespmem:$0x189B0] =	vst v63  }
0x43: {  	s5 =	simm.s32 @!p0 $0xD  }
0x44: {  	_ =	swait.ge @!p0 [sflag:s5], $0x500  }
0x45: {  	[sflag:s5] =	ssyncset.done @!p0 $0x0  }
0x46: {  	[sflag:s5] =	ssyncadd.s32 @!p0 $0xFFFFFB00  }
0x47: {  	[bflag:$0x0] =	sbarrier.arrive $0xFFFF  }
0x48: {  	s13 =	rddreg [dreg:$0x3]  }
0x49: {  	s23 =	rddreg [dreg:$0x6];
	s5 =	sadd.s32 $0x0, s13  }
0x4a: {  	[tilespmem:s3], [sflag:$0x1] =	stream.strided.gather [hbm4b:s5+s14], $0xD0, s15, s14, $0x38;
	[tilespmem:$0x189B0] =	vst v63  }
0x4b: {  	s24 =	rddreg [dreg:$0x5];
	s13 =	sadd.s32 $0x0, s23  }
0x4c: {  	[tilespmem:s16], [sflag:$0x2] =	stream.strided.gather [hbm4b:s13+s14], $0xD0, s15, s14, $0x38;
	[tilespmem:$0x189B0] =	vst v63  }
0x4d: {  	s23 =	rddreg [dreg:$0x4];
	s24 =	sadd.s32 $0x0, s24  }
0x4e: {  	[tilespmem:s17], [sflag:$0x3] =	stream.strided.gather [hbm4b:s24+s14], $0xD0, s15, s14, $0x38;
	[tilespmem:$0x189B0] =	vst v63  }
0x4f: {  	s12 =	sadd.s32 $0x0, s23  }
0x50: {  	[tilespmem:s18], [sflag:$0x4] =	stream.strided.gather [hbm4b:s12+s14], $0xD0, s15, s14, $0x38;
	[tilespmem:$0x189B0] =	vst v63  }
0x51: {  	_ =	swait.ge [sflag:s19], $0xD0  }
0x52: {  	[sflag:s19] =	ssyncset.done $0x0  }
0x53: {  	[sflag:s19] =	ssyncadd.s32 $0xFFFFFF30  }
0x54: {  	[tilespmem:s26], [sflag:$0x5] =	stream.indirect.gather [hbm4b:s4+s14], $0x50, s3, s14, $0xb8;
	[tilespmem:$0x189B0] =	vst v63  }
0x55: {  	_ =	swait.ge [sflag:s28], $0xD0  }
0x56: {  	[sflag:s28] =	ssyncset.done $0x0  }
0x57: {  	[sflag:s28] =	ssyncadd.s32 $0xFFFFFF30  }
0x58: {  	[tilespmem:s29], [sflag:$0x6] =	stream.indirect.gather [hbm4b:s4+s14], $0x50, s16, s14, $0xb8;
	[tilespmem:$0x189B0] =	vst v63  }
0x59: {  	_ =	swait.ge [sflag:s30], $0xD0  }
0x5a: {  	[sflag:s30] =	ssyncset.done $0x0  }
0x5b: {  	[sflag:s30] =	ssyncadd.s32 $0xFFFFFF30  }
0x5c: {  	[tilespmem:s31], [sflag:$0x7] =	stream.indirect.gather [hbm4b:s4+s14], $0x50, s17, s14, $0xb8;
	[tilespmem:$0x189B0] =	vst v63  }
0x5d: {  	_ =	swait.ge [sflag:s0], $0xD0  }
0x5e: {  	[sflag:s0] =	ssyncset.done $0x0  }
0x5f: {  	[sflag:s0] =	ssyncadd.s32 $0xFFFFFF30  }
0x60: {  	[tilespmem:s1], [sflag:$0x8] =	stream.indirect.gather [hbm4b:s4+s14], $0x50, s18, s14, $0xb8;
	[tilespmem:$0x189B0] =	vst v63  }
0x61: {  	_ =	swait.ge [sflag:s6], $0x2080  }
0x62: {  	[sflag:s6] =	ssyncset.done $0x0  }
0x63: {  	[sflag:s6] =	ssyncadd.s32 $0xFFFFDF80  }
0x64: {  	[spmem:s2] =	stream.indirect.scatter.add.f32 [tilespmem:s26], [sflag:$0x9], $0x50, s14, s14, $0xb8;
	[tilespmem:$0x189B0] =	vst v63  }
0x65: {  	_ =	swait.ge [sflag:s8], $0x2080  }
0x66: {  	[sflag:s8] =	ssyncset.done $0x0  }
0x67: {  	s13 =	rddreg [dreg:$0x7];
	[sflag:s8] =	ssyncadd.s32 $0xFFFFDF80  }
0x68: {  	[spmem:s2] =	stream.indirect.scatter.add.f32 [tilespmem:s29], [sflag:$0xA], $0x50, s13, s14, $0xb8;
	[tilespmem:$0x189B0] =	vst v63  }
0x69: {  	_ =	swait.ge [sflag:s9], $0x2080  }
0x6a: {  	[sflag:s9] =	ssyncset.done $0x0  }
0x6b: {  	s23 =	rddreg [dreg:$0x8];
	[sflag:s9] =	ssyncadd.s32 $0xFFFFDF80  }
0x6c: {  	[spmem:s2] =	stream.indirect.scatter.add.f32 [tilespmem:s31], [sflag:$0xB], $0x50, s23, s14, $0xb8;
	[tilespmem:$0x189B0] =	vst v63  }
0x6d: {  	_ =	swait.ge [sflag:s10], $0x2080  }
0x6e: {  	[sflag:s10] =	ssyncset.done $0x0  }
0x6f: {  	s24 =	simm.s32 $0x2D8;
	[sflag:s10] =	ssyncadd.s32 $0xFFFFDF80  }
0x70: {  	[spmem:s2] =	stream.indirect.scatter.add.f32 [tilespmem:s1], [sflag:$0xC], $0x50, s24, s14, $0xb8;
	[tilespmem:$0x189B0] =	vst v63  }
0x71: {  	_ =	swait.ge [sflag:s7], $0x2080  }
0x72: {  	[sflag:s7] =	ssyncset.done $0x0  }
0x73: {  	[sflag:s7] =	ssyncadd.s32 $0xFFFFDF80  }
0x74: {  	_ =	swait.ge [sflag:s20], $0x2080  }
0x75: {  	[sflag:s20] =	ssyncset.done $0x0  }
0x76: {  	[sflag:s20] =	ssyncadd.s32 $0xFFFFDF80  }
0x77: {  	_ =	swait.ge [sflag:s21], $0x2080  }
0x78: {  	[sflag:s21] =	ssyncset.done $0x0  }
0x79: {  	[sflag:s21] =	ssyncadd.s32 $0xFFFFDF80  }
0x7a: {  	s12 =	simm.s32 $0x68;
	_ =	swait.ge [sflag:s22], $0x2080  }
0x7b: {  	s24 =	simm.s32 $0x34;
	s23 =	rddreg [dreg:$0x3];
	[sflag:s22] =	ssyncset.done $0x0  }
.LBB2_4:
0x7c: {  	[sflag:s22] =	ssyncadd.s32 $0xFFFFDF80;
	s11 =	rddreg [dreg:$0x6];
	s13 =	sadd.s32 s24, s23  }
0x7d: {  	[tilespmem:s3], [sflag:$0x1] =	stream.strided.gather [hbm4b:s13+s14], $0xD0, s15, s14, $0x38;
	[tilespmem:$0x189B0] =	vst v63  }
0x7e: {  	s23 =	rddreg [dreg:$0x5];
	s11 =	sadd.s32 s24, s11  }
0x7f: {  	[tilespmem:s16], [sflag:$0x2] =	stream.strided.gather [hbm4b:s11+s14], $0xD0, s15, s14, $0x38;
	[tilespmem:$0x189B0] =	vst v63  }
0x80: {  	s13 =	rddreg [dreg:$0x4];
	s23 =	sadd.s32 s24, s23  }
0x81: {  	[tilespmem:s17], [sflag:$0x3] =	stream.strided.gather [hbm4b:s23+s14], $0xD0, s15, s14, $0x38;
	[tilespmem:$0x189B0] =	vst v63  }
0x82: {  	s23 =	sadd.s32 s24, s13  }
0x83: {  	[tilespmem:s18], [sflag:$0x4] =	stream.strided.gather [hbm4b:s23+s14], $0xD0, s15, s14, $0x38;
	[tilespmem:$0x189B0] =	vst v63  }
0x84: {  	_ =	swait.ge [sflag:s19], $0xD0  }
0x85: {  	[sflag:s19] =	ssyncset.done $0x0  }
0x86: {  	[sflag:s19] =	ssyncadd.s32 $0xFFFFFF30  }
0x87: {  	[tilespmem:s26], [sflag:$0x5] =	stream.indirect.gather [hbm4b:s4+s14], $0x50, s3, s14, $0xb8;
	[tilespmem:$0x189B0] =	vst v63  }
0x88: {  	_ =	swait.ge [sflag:s28], $0xD0  }
0x89: {  	[sflag:s28] =	ssyncset.done $0x0  }
0x8a: {  	[sflag:s28] =	ssyncadd.s32 $0xFFFFFF30  }
0x8b: {  	[tilespmem:s29], [sflag:$0x6] =	stream.indirect.gather [hbm4b:s4+s14], $0x50, s16, s14, $0xb8;
	[tilespmem:$0x189B0] =	vst v63  }
0x8c: {  	_ =	swait.ge [sflag:s30], $0xD0  }
0x8d: {  	[sflag:s30] =	ssyncset.done $0x0  }
0x8e: {  	[sflag:s30] =	ssyncadd.s32 $0xFFFFFF30  }
0x8f: {  	[tilespmem:s31], [sflag:$0x7] =	stream.indirect.gather [hbm4b:s4+s14], $0x50, s17, s14, $0xb8;
	[tilespmem:$0x189B0] =	vst v63  }
0x90: {  	_ =	swait.ge [sflag:s0], $0xD0  }
0x91: {  	[sflag:s0] =	ssyncset.done $0x0  }
0x92: {  	[sflag:s0] =	ssyncadd.s32 $0xFFFFFF30  }
0x93: {  	[tilespmem:s1], [sflag:$0x8] =	stream.indirect.gather [hbm4b:s4+s14], $0x50, s18, s14, $0xb8;
	[tilespmem:$0x189B0] =	vst v63  }
0x94: {  	_ =	swait.ge [sflag:s6], $0x2080  }
0x95: {  	[sflag:s6] =	ssyncset.done $0x0  }
0x96: {  	[sflag:s6] =	ssyncadd.s32 $0xFFFFDF80  }
0x97: {  	[spmem:s2] =	stream.indirect.scatter.add.f32 [tilespmem:s26], [sflag:$0x9], $0x50, s14, s14, $0xb8;
	[tilespmem:$0x189B0] =	vst v63  }
0x98: {  	_ =	swait.ge [sflag:s8], $0x2080  }
0x99: {  	[sflag:s8] =	ssyncset.done $0x0  }
0x9a: {  	s11 =	rddreg [dreg:$0x7];
	[sflag:s8] =	ssyncadd.s32 $0xFFFFDF80  }
0x9b: {  	[spmem:s2] =	stream.indirect.scatter.add.f32 [tilespmem:s29], [sflag:$0xA], $0x50, s11, s14, $0xb8;
	[tilespmem:$0x189B0] =	vst v63  }
0x9c: {  	_ =	swait.ge [sflag:s9], $0x2080  }
0x9d: {  	[sflag:s9] =	ssyncset.done $0x0  }
0x9e: {  	s23 =	rddreg [dreg:$0x8];
	[sflag:s9] =	ssyncadd.s32 $0xFFFFDF80  }
0x9f: {  	[spmem:s2] =	stream.indirect.scatter.add.f32 [tilespmem:s31], [sflag:$0xB], $0x50, s23, s14, $0xb8;
	[tilespmem:$0x189B0] =	vst v63  }
0xa0: {  	_ =	swait.ge [sflag:s10], $0x2080  }
0xa1: {  	[sflag:s10] =	ssyncset.done $0x0  }
0xa2: {  	s13 =	simm.s32 $0x2D8;
	[sflag:s10] =	ssyncadd.s32 $0xFFFFDF80  }
0xa3: {  	[spmem:s2] =	stream.indirect.scatter.add.f32 [tilespmem:s1], [sflag:$0xC], $0x50, s13, s14, $0xb8;
	[tilespmem:$0x189B0] =	vst v63  }
0xa4: {  	_ =	swait.ge [sflag:s7], $0x2080  }
0xa5: {  	[sflag:s7] =	ssyncset.done $0x0  }
0xa6: {  	[sflag:s7] =	ssyncadd.s32 $0xFFFFDF80  }
0xa7: {  	_ =	swait.ge [sflag:s20], $0x2080  }
0xa8: {  	[sflag:s20] =	ssyncset.done $0x0  }
0xa9: {  	p1 =	sne.s32 s12, $0x4AC;
	[sflag:s20] =	ssyncadd.s32 $0xFFFFDF80  }
.Ltmp1:
0xaa: {  	_ =	swait.ge [sflag:s21], $0x2080;
	(pc) =	sbr.rel @p1 .LBB2_4-.Ltmp1, $4  }
0xab: {  	[sflag:s21] =	ssyncset.done $0x0  }
0xac: {  	[sflag:s21] =	ssyncadd.s32 $0xFFFFDF80  }
0xad: {  	s5 =	smov.u32 s12;
	s12 =	sadd.s32 $0x34, s12;
	_ =	swait.ge [sflag:s22], $0x2080  }
0xae: {  	s24 =	smov.u32 s5;
	s23 =	rddreg [dreg:$0x3];
	[sflag:s22] =	ssyncset.done $0x0  }
0xaf: {  	s5 =	rddreg [dreg:$0x6];
	[sflag:s22] =	ssyncadd.s32 $0xFFFFDF80;
	s11 =	sadd.s32 s24, s23  }
0xb0: {  	[tilespmem:s3], [sflag:$0x1] =	stream.strided.gather [hbm4b:s11+s14], $0xD0, s15, s14, $0x38;
	[tilespmem:$0x189B0] =	vst v63  }
0xb1: {  	s12 =	rddreg [dreg:$0x5];
	s5 =	sadd.s32 s24, s5  }
0xb2: {  	[tilespmem:s16], [sflag:$0x2] =	stream.strided.gather [hbm4b:s5+s14], $0xD0, s15, s14, $0x38;
	[tilespmem:$0x189B0] =	vst v63  }
0xb3: {  	s23 =	rddreg [dreg:$0x4];
	s11 =	sadd.s32 s24, s12  }
0xb4: {  	[tilespmem:s17], [sflag:$0x3] =	stream.strided.gather [hbm4b:s11+s14], $0xD0, s15, s14, $0x38;
	[tilespmem:$0x189B0] =	vst v63  }
0xb5: {  	s5 =	sadd.s32 s24, s23  }
0xb6: {  	[tilespmem:s18], [sflag:$0x4] =	stream.strided.gather [hbm4b:s5+s14], $0xD0, s15, s14, $0x38;
	[tilespmem:$0x189B0] =	vst v63  }
0xb7: {  	_ =	swait.ge [sflag:s19], $0xD0  }
0xb8: {  	[sflag:s19] =	ssyncset.done $0x0  }
0xb9: {  	[sflag:s19] =	ssyncadd.s32 $0xFFFFFF30  }
0xba: {  	[tilespmem:s26], [sflag:$0x5] =	stream.indirect.gather [hbm4b:s4+s14], $0x50, s3, s14, $0xb8;
	[tilespmem:$0x189B0] =	vst v63  }
0xbb: {  	_ =	swait.ge [sflag:s28], $0xD0  }
0xbc: {  	[sflag:s28] =	ssyncset.done $0x0  }
0xbd: {  	[sflag:s28] =	ssyncadd.s32 $0xFFFFFF30  }
0xbe: {  	[tilespmem:s29], [sflag:$0x6] =	stream.indirect.gather [hbm4b:s4+s14], $0x50, s16, s14, $0xb8;
	[tilespmem:$0x189B0] =	vst v63  }
0xbf: {  	_ =	swait.ge [sflag:s30], $0xD0  }
0xc0: {  	[sflag:s30] =	ssyncset.done $0x0  }
0xc1: {  	[sflag:s30] =	ssyncadd.s32 $0xFFFFFF30  }
0xc2: {  	[tilespmem:s31], [sflag:$0x7] =	stream.indirect.gather [hbm4b:s4+s14], $0x50, s17, s14, $0xb8;
	[tilespmem:$0x189B0] =	vst v63  }
0xc3: {  	_ =	swait.ge [sflag:s0], $0xD0  }
0xc4: {  	[sflag:s0] =	ssyncset.done $0x0  }
0xc5: {  	[sflag:s0] =	ssyncadd.s32 $0xFFFFFF30  }
0xc6: {  	[tilespmem:s1], [sflag:$0x8] =	stream.indirect.gather [hbm4b:s4+s14], $0x50, s18, s14, $0xb8;
	[tilespmem:$0x189B0] =	vst v63  }
0xc7: {  	_ =	swait.ge [sflag:s6], $0x2080  }
0xc8: {  	[sflag:s6] =	ssyncset.done $0x0  }
0xc9: {  	[sflag:s6] =	ssyncadd.s32 $0xFFFFDF80  }
0xca: {  	[spmem:s2] =	stream.indirect.scatter.add.f32 [tilespmem:s26], [sflag:$0x9], $0x50, s14, s14, $0xb8;
	[tilespmem:$0x189B0] =	vst v63  }
0xcb: {  	_ =	swait.ge [sflag:s8], $0x2080  }
0xcc: {  	[sflag:s8] =	ssyncset.done $0x0  }
0xcd: {  	s11 =	rddreg [dreg:$0x7];
	[sflag:s8] =	ssyncadd.s32 $0xFFFFDF80  }
0xce: {  	[spmem:s2] =	stream.indirect.scatter.add.f32 [tilespmem:s29], [sflag:$0xA], $0x50, s11, s14, $0xb8;
	[tilespmem:$0x189B0] =	vst v63  }
0xcf: {  	_ =	swait.ge [sflag:s9], $0x2080  }
0xd0: {  	[sflag:s9] =	ssyncset.done $0x0  }
0xd1: {  	s12 =	rddreg [dreg:$0x8];
	[sflag:s9] =	ssyncadd.s32 $0xFFFFDF80  }
0xd2: {  	[spmem:s2] =	stream.indirect.scatter.add.f32 [tilespmem:s31], [sflag:$0xB], $0x50, s12, s14, $0xb8;
	[tilespmem:$0x189B0] =	vst v63  }
0xd3: {  	_ =	swait.ge [sflag:s10], $0x2080  }
0xd4: {  	[sflag:s10] =	ssyncset.done $0x0  }
0xd5: {  	[sflag:s10] =	ssyncadd.s32 $0xFFFFDF80  }
0xd6: {  	[spmem:s2] =	stream.indirect.scatter.add.f32 [tilespmem:s1], [sflag:$0xC], $0x50, s13, s14, $0xb8;
	[tilespmem:$0x189B0] =	vst v63  }
0xd7: {  	_ =	swait.ge [sflag:s7], $0x2080  }
0xd8: {  	[sflag:s7] =	ssyncset.done $0x0  }
0xd9: {  	[sflag:s7] =	ssyncadd.s32 $0xFFFFDF80  }
0xda: {  	_ =	swait.ge [sflag:s20], $0x2080  }
0xdb: {  	[sflag:s20] =	ssyncset.done $0x0  }
0xdc: {  	[sflag:s20] =	ssyncadd.s32 $0xFFFFDF80  }
0xdd: {  	_ =	swait.ge [sflag:s21], $0x2080  }
0xde: {  	[sflag:s21] =	ssyncset.done $0x0  }
0xdf: {  	[sflag:s21] =	ssyncadd.s32 $0xFFFFDF80  }
0xe0: {  	_ =	swait.ge [sflag:s22], $0x2080  }
0xe1: {  	s23 =	simm.s32 $0x8540;
	s11 =	simm.s32 $0xD;
	[sflag:s22] =	ssyncset.done $0x0  }
0xe2: {  	s12 =	simm.s32 $0x10;
	s13 =	rddreg [dreg:$0xa];
	[sflag:s22] =	ssyncadd.s32 $0xFFFFDF80  }
0xe3: {  	[tilespmem:s23], [sflag:$0xD] =	stream.strided.gather [hbm4b:s13+s12], $0x20, s15, s12, $0x38;
	[tilespmem:$0x189B0] =	vst v63  }
0xe4: {  	_ =	swait.ge [sflag:s11], $0x20  }
0xe5: {  	[sflag:s11] =	ssyncset.done $0x0  }
0xe6: {  	[sflag:s11] =	ssyncadd.s32 $0xFFFFFFE0  }
0xe7: {  	[tilespmem:s26], [sflag:$0x5] =	stream.indirect.gather [hbm4b:s4+s12], $0x50, s23, s12, $0xb8;
	[tilespmem:$0x189B0] =	vst v63  }
0xe8: {  	_ =	swait.ge [sflag:s6], $0x500  }
0xe9: {  	[sflag:s6] =	ssyncset.done $0x0  }
0xea: {  	s24 =	simm.s32 $0x8550;
	[sflag:s6] =	ssyncadd.s32 $0xFFFFFB00  }
0xeb: {  	[spmem:s2] =	stream.indirect.scatter.add.f32 [tilespmem:s26], [sflag:$0xD], $0x50, s24, s12, $0xb8;
	[tilespmem:$0x189B0] =	vst v63  }
0xec: {  	_ =	swait.ge [sflag:s11], $0x500  }
0xed: {  	[sflag:s11] =	ssyncset.done $0x0  }
0xee: {  	[sflag:s11] =	ssyncadd.s32 $0xFFFFFB00  }
0xef: {  	s13 =	stileid.u32;
	[bflag:$0x0] =	sbarrier.arrive $0xFFFF  }
0xf0: {  	s5 =	sshll.u32 s13, $0x6;
	s23 =	rddreg [dreg:$0x10]  }
0xf1: {  	s5 =	sor.u32 $0x1C0D, s5;
	s24 =	rddreg [dreg:$0x11]  }
0xf2: {  	[hbm:s23], [sflag:s5] =	dma.local [spmem:s24], $0x820  }
0xf3: {  	_ =	swait.ge [sflag:s11], $0x820  }
0xf4: {  	[sflag:s11] =	ssyncset.done $0x0;
	s23 =	rddreg [dreg:$0x12]  }
0xf5: {  	s24 =	rddreg [dreg:$0x13];
	[sflag:s11] =	ssyncadd.s32 $0xFFFFF7E0  }
0xf6: {  	[hbm:s23], [sflag:s5] =	dma.local [spmem:s24], $0x820  }
0xf7: {  	_ =	swait.ge [sflag:s11], $0x820  }
0xf8: {  	[sflag:s11] =	ssyncset.done $0x0;
	s13 =	rddreg [dreg:$0x14]  }
0xf9: {  	s23 =	rddreg [dreg:$0x15];
	[sflag:s11] =	ssyncadd.s32 $0xFFFFF7E0  }
0xfa: {  	[hbm:s13], [sflag:s5] =	dma.local [spmem:s23], $0x820  }
0xfb: {  	_ =	swait.ge [sflag:s11], $0x820  }
0xfc: {  	s12 =	simm.s32 @!p0 $0x1FCD;
	[sflag:s11] =	ssyncset.done $0x0;
	s5 =	rddreg [dreg:$0xb]  }
0xfd: {  	[sflag:s11] =	ssyncadd.s32 $0xFFFFF7E0;
	s5 =	sadd.s32 @!p0 $0x18600, s5;
	s11 =	sshrl.u32 @!p0 s25, $0x3  }
0xfe: {  	[hbm:s5], [sflag:s12] =	dma.local @!p0 [spmem:s11], $0xA0  }
0xff: {  	s5 =	simm.s32 @!p0 $0xD  }
0x100: {  	_ =	swait.ge @!p0 [sflag:s5], $0xA0  }
0x101: {  	s24 =	rddreg [dreg:$0x16]  }
0x102: {  	s25 =	rddreg [dreg:$0xc];
	s12 =	sadd.s32 $0x1, s24  }
0x103: {  	p1 =	sne.s32 s12, s25  }
.Ltmp2:
0x104: {  	_ = 	snop;
	(pc) =	sbr.rel @p1 .LBB2_1-.Ltmp2, $3  }
0x105: {  	_ =	sdelay $0x1  }
0x106: {  	[sflag:s5] =	ssyncset.done @!p0 $0x0  }
0x107: {  	[sflag:s5] =	ssyncadd.s32 @!p0 $0xFFFFFF60  }
0x108: {  	_ =	sfence.sel $0x180000  }
0x109: {  	[bflag:$0x0] =	sbarrier.arrive $0xFFFF  }
0x10a: {  	_ =	strace $0x90000047  }
0x10b: {  	s0 =	stileid.u32;
	[bflag:$0x2] =	sbarrier.arrive $0xFFFF  }
0x10c: {  	p0 =	sne.s32 s0, $0x0;
	s0 =	rddreg [dreg:$0x2]  }
0x10d: {  	s0 =	sadd.s32 @!p0 $0x100000, s0  }
0x10e: {  	[sflag:s0] =	ssyncadd.tile.s32 @!p0 $0x1;
	_ =	shalt  }
.Lfunc_end2:
_tile_overlayer_lowered:
.L_overlay_start_2:
0x10f: {  	(tag) =	ssettag $0x2  }
0x110: {  	s0 =	rddreg [dreg:$0x0];
	s2 =	stileid.u32  }
0x111: {  	s1 =	rddreg [dreg:$0x1];
	p0 =	sne.s32 s2, $0x0  }
0x112: {  	s3 =	rddreg [dreg:$0x2];
	[bflag:$0x3] =	sbarrier.arrive $0xFFFF;
	s2 =	simm.s32 @!p0 $0x1C0D  }
0x113: {  	[timem:s3], [sflag:s2] =	dma.local @!p0 [hbm:s0], s1  }
0x114: {  	s0 =	simm.s32 @!p0 $0xD  }
0x115: {  	_ =	swait.ge @!p0 [sflag:s0], s1  }
0x116: {  	s1 =	ssub.s32 @!p0 $0x0, s1;
	[sflag:s0] =	ssyncset.done @!p0 $0x0  }
0x117: {  	[sflag:s0] =	ssyncadd.s32 @!p0 s1  }
0x118: {  	[bflag:$0x3] =	sbarrier.arrive $0xFFFF  }
0x119: {  	_ =	shalt  }

</sc_bundles>
